<compile_context>
chip_gen: v7x
topology: tpu7x:2x2x1
jax: 0.10.2.dev20260603
libtpu: 0.0.44.dev20260713+nightly
codegen_flags: <defaults>
</compile_context>

<pallas_src>
import functools

import jax
import jax.numpy as jnp
from jax import lax
from jax.experimental import pallas as pl
from jax.experimental.pallas import tpu as pltpu
from jax.experimental.pallas import tpu_sc as plsc

L = 16
NC = 2
NS = 16
NW = NC * NS
ROWS, COLS = 16384, 200
TROWS, TCOLS = COLS, ROWS
COLS_W = TCOLS // NW
NCH = 2
CCH = COLS_W // NCH
VECS_CH = CCH // (4 * L)
PAIR_STRIDE = 256
TAB_SIZE = ((4 + PAIR_STRIDE * 4) + 1) * L

_mesh = plsc.VectorSubcoreMesh(core_axis_name="c", subcore_axis_name="s")


@functools.partial(
    pl.kernel,
    mesh=_mesh,
    compiler_params=pltpu.CompilerParams(needs_layout_passes=False),
    out_type=jax.ShapeDtypeStruct((NW, L), jnp.float32),
    scratch_types=[
        pltpu.VMEM((2, TROWS, CCH), jnp.int8),
        pltpu.VMEM((32,), jnp.float32),
        pltpu.VMEM((TAB_SIZE,), jnp.float32),
        pltpu.VMEM((L,), jnp.float32),
        pltpu.SemaphoreType.DMA,
        pltpu.SemaphoreType.DMA,
    ],
)
def _lookup_sum(x_hbm, tflat_hbm, out_hbm, xbuf, tbuf, tab, accbuf, sem0, sem1):
    cid = lax.axis_index("c")
    sid = lax.axis_index("s")
    wid = sid * NC + cid
    col0 = wid * COLS_W
    sems = (sem0, sem1)

    def chunk_copy(c, b):
        return pltpu.make_async_copy(
            x_hbm.at[:, pl.ds(col0 + c * CCH, CCH)], xbuf.at[b], sems[b]
        )

    chunk_copy(0, 0).start()
    pltpu.sync_copy(tflat_hbm, tbuf)

    rs = []
    for k in range(5):
        v = tbuf[pl.ds(4 * k, L)]
        rs.append(v[0] + v[1] + v[2] + v[3])

    mshift = 0.4 * ((rs[0] + rs[1]) + (rs[2] + rs[3]) + rs[4])
    for b1 in range(5):
        for b0 in range(5):
            val = (rs[b0] + rs[b1]) - mshift
            tab[pl.ds((b0 + PAIR_STRIDE * b1) * L, L)] = jnp.broadcast_to(val, (L,))

    lanes = lax.iota(jnp.int32, L)

    def make_body(buf):
        def one_vec(r, boff, a0, a1):
            bv = buf[r, pl.ds(boff, 4 * L)]
            v = plsc.bitcast(bv, jnp.int32)
            p0 = ((v & 0xFFFF) << 4) + lanes
            p1 = ((v >> 16) << 4) + lanes
            a0 = a0 + plsc.load_gather(tab, [p0])
            a1 = a1 + plsc.load_gather(tab, [p1])
            return a0, a1

        def body(r, accs):
            out = []
            for u in range(VECS_CH):
                a0, a1 = one_vec(r, u * 4 * L, accs[2 * u], accs[2 * u + 1])
                out.extend((a0, a1))
            return tuple(out)

        return body

    zf = jnp.zeros((L,), jnp.float32)
    accs = (zf,) * (2 * VECS_CH)
    for c in range(NCH):
        b = c % 2
        chunk_copy(c, b).wait()
        if c + 1 < NCH:
            chunk_copy(c + 1, 1 - b).start()
        accs = plsc.parallel_loop(0, TROWS, 1, unroll=2, carry=accs)(
            make_body(xbuf.at[b])
        )

    pairs_per_lane = TROWS * COLS_W // (2 * L)
    total = ((accs[0] + accs[1]) + (accs[2] + accs[3])
             + (accs[4] + accs[5]) + (accs[6] + accs[7]))
    accbuf[...] = total + jnp.broadcast_to(pairs_per_lane * mshift, (L,))
    pltpu.sync_copy(accbuf, out_hbm.at[wid])


def kernel(x, table):
    xt = x.astype(jnp.int8).T
    tflat = jnp.zeros((32,), jnp.float32).at[:20].set(table.reshape(-1))
    partials = _lookup_sum(xt, tflat)
    return partials.sum()

# --- scband reference (transcript-rebuilt; emitter-appended) ---
"""Pipeline reference for scband-test-30554397344213 (READ-ONLY COPY).

The authoritative reference and input builder live on the scoring server;
editing this copy changes nothing except your own understanding.
"""

import jax, jax.numpy as jnp
import numpy as np

def setup_inputs(seed: int = 0) -> dict:
    key = jax.random.key(seed)
    k1, k2 = jax.random.split(key)
    x = jax.random.randint(k1, (16384, 200), 0, 5, dtype=jnp.int64 if jax.config.jax_enable_x64 else jnp.int32)
    table = jax.random.normal(k2, (5, 4), dtype=jnp.float32)
    return {"x": x, "table": table}

def reference(x, table):
    # nn.Embedding lookup -> gather rows, then global sum
    emb = jnp.take(table, x, axis=0)  # [16384, 200, 4]
    return emb.sum()

if __name__ == "__main__":
    import jax
    _d = setup_inputs()
    print(jax.jit(kernel)(*tuple(_d.values())))

</pallas_src>

<mosaic_0001>
#map = affine_map<(d0, d1) -> (0, 0)>
#map1 = affine_map<(d0, d1) -> (0)>
module attributes {stable_mosaic.version = 14 : i64} {
  func.func @_lookup_sum(%arg0: i32, %arg1: i32, %arg2: memref<200x16384xi8, #tpu.memory_space<hbm>>, %arg3: memref<32xf32, #tpu.memory_space<hbm>>, %arg4: memref<32x16xf32, #tpu.memory_space<hbm>>, %arg5: memref<2x200x256xi8, #tpu.memory_space<vmem>>, %arg6: memref<32xf32, #tpu.memory_space<vmem>>, %arg7: memref<16464xf32, #tpu.memory_space<vmem>>, %arg8: memref<16xf32, #tpu.memory_space<vmem>>, %arg9: memref<!tpu.dma_semaphore, #tpu.memory_space<semaphore_mem>>, %arg10: memref<!tpu.dma_semaphore, #tpu.memory_space<semaphore_mem>>) attributes {dimension_semantics = [#tpu.dimension_semantics<core_parallel>, #tpu.dimension_semantics<subcore_parallel>], iteration_bounds = array<i64: 2, 16>, scalar_prefetch = 0 : i64, scratch_operands = 6 : i64, tpu.core_type = #tpu.core_type<sc_vector_subcore>, window_params = [{transform_indices = #map}, {transform_indices = #map1}, {transform_indices = #map}]} {
    %mul3A = arith.constant 2 : i32
    %mul3A_0 = arith.muli %arg1, %mul3A : i32
    %add3A = arith.addi %mul3A_0, %arg0 : i32
    %mul3A_1 = arith.constant 512 : i32
    %mul3A_2 = arith.muli %add3A, %mul3A_1 : i32
    %add3A_3 = arith.constant 0 : i32
    %add3A_4 = arith.addi %mul3A_2, %add3A_3 : i32
    %dma_start3A = arith.constant 0 : i32
    %dma_start3A_5 = arith.constant 0 : i32
    %dma_start3A_6 = arith.constant 0 : i32
    %dma_start3A_7 = tpu.memref_slice %arg5[%dma_start3A, %dma_start3A_5, %dma_start3A_6] : memref<2x200x256xi8, #tpu.memory_space<vmem>> -> memref<1x200x256xi8, #tpu.memory_space<vmem>>
    %dma_start3A_8 = tpu.memref_squeeze %dma_start3A_7 : memref<1x200x256xi8, #tpu.memory_space<vmem>> -> memref<200x256xi8, #tpu.memory_space<vmem>>
    %dma_start3A_9 = arith.constant 0 : i32
    %dma_start3A_10 = tpu.memref_slice %arg2[%dma_start3A_9, %add3A_4] : memref<200x16384xi8, #tpu.memory_space<hbm>> -> memref<200x256xi8, #tpu.memory_space<hbm>>
    %dma_start3A_11 = arith.constant 0 : i32
    %dma_start3A_12 = arith.constant 0 : i32
    %dma_start3A_13 = tpu.memref_slice %arg5[%dma_start3A, %dma_start3A_11, %dma_start3A_12] : memref<2x200x256xi8, #tpu.memory_space<vmem>> -> memref<1x200x256xi8, #tpu.memory_space<vmem>>
    %dma_start3A_14 = tpu.memref_squeeze %dma_start3A_13 : memref<1x200x256xi8, #tpu.memory_space<vmem>> -> memref<200x256xi8, #tpu.memory_space<vmem>>
    %dma_start3A_15 = arith.constant 0 : i32
    %dma_start3A_16 = tpu.memref_slice %arg2[%dma_start3A_15, %add3A_4] : memref<200x16384xi8, #tpu.memory_space<hbm>> -> memref<200x256xi8, #tpu.memory_space<hbm>>
    tpu.enqueue_dma source(%dma_start3A_16 : memref<200x256xi8, #tpu.memory_space<hbm>>) target(%dma_start3A_14 : memref<200x256xi8, #tpu.memory_space<vmem>>) target_semaphore(%arg9 : memref<!tpu.dma_semaphore, #tpu.memory_space<semaphore_mem>>)
    "tpu.region"() ({
      %run_scoped3A = tpu.sem_alloc : memref<!tpu.dma_semaphore, #tpu.memory_space<semaphore_mem>>
      tpu.enqueue_dma source(%arg3 : memref<32xf32, #tpu.memory_space<hbm>>) target(%arg6 : memref<32xf32, #tpu.memory_space<vmem>>) target_semaphore(%run_scoped3A : memref<!tpu.dma_semaphore, #tpu.memory_space<semaphore_mem>>)
      tpu.wait_dma2 semaphore(%run_scoped3A : memref<!tpu.dma_semaphore, #tpu.memory_space<semaphore_mem>>) src(%arg3 : memref<32xf32, #tpu.memory_space<hbm>>) dst(%arg6 : memref<32xf32, #tpu.memory_space<vmem>>)
      tpu.yield
    }) : () -> ()
    %get3A = arith.constant 0 : index
    %get3A_17 = tpu.vector_load %arg6[%get3A] {strides = array<i32>} : memref<32xf32, #tpu.memory_space<vmem>>, vector<16xf32>,
    %slice3A = vector.extract_strided_slice %get3A_17 {offsets = [0], sizes = [1], strides = [1]} : vector<16xf32> to vector<1xf32>
    %squeeze3A = vector.extract %slice3A[0] : f32 from vector<1xf32>
    %slice3A_18 = vector.extract_strided_slice %get3A_17 {offsets = [1], sizes = [1], strides = [1]} : vector<16xf32> to vector<1xf32>
    %squeeze3A_19 = vector.extract %slice3A_18[0] : f32 from vector<1xf32>
    %add3A_20 = arith.addf %squeeze3A, %squeeze3A_19 : f32
    %slice3A_21 = vector.extract_strided_slice %get3A_17 {offsets = [2], sizes = [1], strides = [1]} : vector<16xf32> to vector<1xf32>
    %squeeze3A_22 = vector.extract %slice3A_21[0] : f32 from vector<1xf32>
    %add3A_23 = arith.addf %add3A_20, %squeeze3A_22 : f32
    %slice3A_24 = vector.extract_strided_slice %get3A_17 {offsets = [3], sizes = [1], strides = [1]} : vector<16xf32> to vector<1xf32>
    %squeeze3A_25 = vector.extract %slice3A_24[0] : f32 from vector<1xf32>
    %add3A_26 = arith.addf %add3A_23, %squeeze3A_25 : f32
    %get3A_27 = arith.constant 4 : index
    %get3A_28 = tpu.vector_load %arg6[%get3A_27] {strides = array<i32>} : memref<32xf32, #tpu.memory_space<vmem>>, vector<16xf32>,
    %slice3A_29 = vector.extract_strided_slice %get3A_28 {offsets = [0], sizes = [1], strides = [1]} : vector<16xf32> to vector<1xf32>
    %squeeze3A_30 = vector.extract %slice3A_29[0] : f32 from vector<1xf32>
    %slice3A_31 = vector.extract_strided_slice %get3A_28 {offsets = [1], sizes = [1], strides = [1]} : vector<16xf32> to vector<1xf32>
    %squeeze3A_32 = vector.extract %slice3A_31[0] : f32 from vector<1xf32>
    %add3A_33 = arith.addf %squeeze3A_30, %squeeze3A_32 : f32
    %slice3A_34 = vector.extract_strided_slice %get3A_28 {offsets = [2], sizes = [1], strides = [1]} : vector<16xf32> to vector<1xf32>
    %squeeze3A_35 = vector.extract %slice3A_34[0] : f32 from vector<1xf32>
    %add3A_36 = arith.addf %add3A_33, %squeeze3A_35 : f32
    %slice3A_37 = vector.extract_strided_slice %get3A_28 {offsets = [3], sizes = [1], strides = [1]} : vector<16xf32> to vector<1xf32>
    %squeeze3A_38 = vector.extract %slice3A_37[0] : f32 from vector<1xf32>
    %add3A_39 = arith.addf %add3A_36, %squeeze3A_38 : f32
    %get3A_40 = arith.constant 8 : index
    %get3A_41 = tpu.vector_load %arg6[%get3A_40] {strides = array<i32>} : memref<32xf32, #tpu.memory_space<vmem>>, vector<16xf32>,
    %slice3A_42 = vector.extract_strided_slice %get3A_41 {offsets = [0], sizes = [1], strides = [1]} : vector<16xf32> to vector<1xf32>
    %squeeze3A_43 = vector.extract %slice3A_42[0] : f32 from vector<1xf32>
    %slice3A_44 = vector.extract_strided_slice %get3A_41 {offsets = [1], sizes = [1], strides = [1]} : vector<16xf32> to vector<1xf32>
    %squeeze3A_45 = vector.extract %slice3A_44[0] : f32 from vector<1xf32>
    %add3A_46 = arith.addf %squeeze3A_43, %squeeze3A_45 : f32
    %slice3A_47 = vector.extract_strided_slice %get3A_41 {offsets = [2], sizes = [1], strides = [1]} : vector<16xf32> to vector<1xf32>
    %squeeze3A_48 = vector.extract %slice3A_47[0] : f32 from vector<1xf32>
    %add3A_49 = arith.addf %add3A_46, %squeeze3A_48 : f32
    %slice3A_50 = vector.extract_strided_slice %get3A_41 {offsets = [3], sizes = [1], strides = [1]} : vector<16xf32> to vector<1xf32>
    %squeeze3A_51 = vector.extract %slice3A_50[0] : f32 from vector<1xf32>
    %add3A_52 = arith.addf %add3A_49, %squeeze3A_51 : f32
    %get3A_53 = arith.constant 12 : index
    %get3A_54 = tpu.vector_load %arg6[%get3A_53] {strides = array<i32>} : memref<32xf32, #tpu.memory_space<vmem>>, vector<16xf32>,
    %slice3A_55 = vector.extract_strided_slice %get3A_54 {offsets = [0], sizes = [1], strides = [1]} : vector<16xf32> to vector<1xf32>
    %squeeze3A_56 = vector.extract %slice3A_55[0] : f32 from vector<1xf32>
    %slice3A_57 = vector.extract_strided_slice %get3A_54 {offsets = [1], sizes = [1], strides = [1]} : vector<16xf32> to vector<1xf32>
    %squeeze3A_58 = vector.extract %slice3A_57[0] : f32 from vector<1xf32>
    %add3A_59 = arith.addf %squeeze3A_56, %squeeze3A_58 : f32
    %slice3A_60 = vector.extract_strided_slice %get3A_54 {offsets = [2], sizes = [1], strides = [1]} : vector<16xf32> to vector<1xf32>
    %squeeze3A_61 = vector.extract %slice3A_60[0] : f32 from vector<1xf32>
    %add3A_62 = arith.addf %add3A_59, %squeeze3A_61 : f32
    %slice3A_63 = vector.extract_strided_slice %get3A_54 {offsets = [3], sizes = [1], strides = [1]} : vector<16xf32> to vector<1xf32>
    %squeeze3A_64 = vector.extract %slice3A_63[0] : f32 from vector<1xf32>
    %add3A_65 = arith.addf %add3A_62, %squeeze3A_64 : f32
    %get3A_66 = arith.constant 16 : index
    %get3A_67 = tpu.vector_load %arg6[%get3A_66] {strides = array<i32>} : memref<32xf32, #tpu.memory_space<vmem>>, vector<16xf32>,
    %slice3A_68 = vector.extract_strided_slice %get3A_67 {offsets = [0], sizes = [1], strides = [1]} : vector<16xf32> to vector<1xf32>
    %squeeze3A_69 = vector.extract %slice3A_68[0] : f32 from vector<1xf32>
    %slice3A_70 = vector.extract_strided_slice %get3A_67 {offsets = [1], sizes = [1], strides = [1]} : vector<16xf32> to vector<1xf32>
    %squeeze3A_71 = vector.extract %slice3A_70[0] : f32 from vector<1xf32>
    %add3A_72 = arith.addf %squeeze3A_69, %squeeze3A_71 : f32
    %slice3A_73 = vector.extract_strided_slice %get3A_67 {offsets = [2], sizes = [1], strides = [1]} : vector<16xf32> to vector<1xf32>
    %squeeze3A_74 = vector.extract %slice3A_73[0] : f32 from vector<1xf32>
    %add3A_75 = arith.addf %add3A_72, %squeeze3A_74 : f32
    %slice3A_76 = vector.extract_strided_slice %get3A_67 {offsets = [3], sizes = [1], strides = [1]} : vector<16xf32> to vector<1xf32>
    %squeeze3A_77 = vector.extract %slice3A_76[0] : f32 from vector<1xf32>
    %add3A_78 = arith.addf %add3A_75, %squeeze3A_77 : f32
    %add3A_79 = arith.addf %add3A_26, %add3A_39 : f32
    %add3A_80 = arith.addf %add3A_52, %add3A_65 : f32
    %add3A_81 = arith.addf %add3A_79, %add3A_80 : f32
    %add3A_82 = arith.addf %add3A_81, %add3A_78 : f32
    %mul3A_83 = arith.constant 4.000000e-01 : f32
    %mul3A_84 = arith.mulf %mul3A_83, %add3A_82 : f32
    %add3A_85 = arith.addf %add3A_26, %add3A_26 : f32
    %sub3A = arith.subf %add3A_85, %mul3A_84 : f32
    %broadcast_in_dim3A = vector.broadcast %sub3A : f32 to vector<16xf32>
    %swap3A = arith.constant 0 : index
    %swap3A_86 = tpu.vector_load %arg7[%swap3A] {strides = array<i32>} : memref<16464xf32, #tpu.memory_space<vmem>>, vector<16xf32>,
    tpu.vector_store %arg7[%swap3A], %broadcast_in_dim3A {strides = array<i32>} : memref<16464xf32, #tpu.memory_space<vmem>>, vector<16xf32>,
    %add3A_87 = arith.addf %add3A_39, %add3A_26 : f32
    %sub3A_88 = arith.subf %add3A_87, %mul3A_84 : f32
    %broadcast_in_dim3A_89 = vector.broadcast %sub3A_88 : f32 to vector<16xf32>
    %swap3A_90 = arith.constant 16 : index
    %swap3A_91 = tpu.vector_load %arg7[%swap3A_90] {strides = array<i32>} : memref<16464xf32, #tpu.memory_space<vmem>>, vector<16xf32>,
    tpu.vector_store %arg7[%swap3A_90], %broadcast_in_dim3A_89 {strides = array<i32>} : memref<16464xf32, #tpu.memory_space<vmem>>, vector<16xf32>,
    %add3A_92 = arith.addf %add3A_52, %add3A_26 : f32
    %sub3A_93 = arith.subf %add3A_92, %mul3A_84 : f32
    %broadcast_in_dim3A_94 = vector.broadcast %sub3A_93 : f32 to vector<16xf32>
    %swap3A_95 = arith.constant 32 : index
    %swap3A_96 = tpu.vector_load %arg7[%swap3A_95] {strides = array<i32>} : memref<16464xf32, #tpu.memory_space<vmem>>, vector<16xf32>,
    tpu.vector_store %arg7[%swap3A_95], %broadcast_in_dim3A_94 {strides = array<i32>} : memref<16464xf32, #tpu.memory_space<vmem>>, vector<16xf32>,
    %add3A_97 = arith.addf %add3A_65, %add3A_26 : f32
    %sub3A_98 = arith.subf %add3A_97, %mul3A_84 : f32
    %broadcast_in_dim3A_99 = vector.broadcast %sub3A_98 : f32 to vector<16xf32>
    %swap3A_100 = arith.constant 48 : index
    %swap3A_101 = tpu.vector_load %arg7[%swap3A_100] {strides = array<i32>} : memref<16464xf32, #tpu.memory_space<vmem>>, vector<16xf32>,
    tpu.vector_store %arg7[%swap3A_100], %broadcast_in_dim3A_99 {strides = array<i32>} : memref<16464xf32, #tpu.memory_space<vmem>>, vector<16xf32>,
    %add3A_102 = arith.addf %add3A_78, %add3A_26 : f32
    %sub3A_103 = arith.subf %add3A_102, %mul3A_84 : f32
    %broadcast_in_dim3A_104 = vector.broadcast %sub3A_103 : f32 to vector<16xf32>
    %swap3A_105 = arith.constant 64 : index
    %swap3A_106 = tpu.vector_load %arg7[%swap3A_105] {strides = array<i32>} : memref<16464xf32, #tpu.memory_space<vmem>>, vector<16xf32>,
    tpu.vector_store %arg7[%swap3A_105], %broadcast_in_dim3A_104 {strides = array<i32>} : memref<16464xf32, #tpu.memory_space<vmem>>, vector<16xf32>,
    %add3A_107 = arith.addf %add3A_26, %add3A_39 : f32
    %sub3A_108 = arith.subf %add3A_107, %mul3A_84 : f32
    %broadcast_in_dim3A_109 = vector.broadcast %sub3A_108 : f32 to vector<16xf32>
    %swap3A_110 = arith.constant 4096 : index
    %swap3A_111 = tpu.vector_load %arg7[%swap3A_110] {strides = array<i32>} : memref<16464xf32, #tpu.memory_space<vmem>>, vector<16xf32>,
    tpu.vector_store %arg7[%swap3A_110], %broadcast_in_dim3A_109 {strides = array<i32>} : memref<16464xf32, #tpu.memory_space<vmem>>, vector<16xf32>,
    %add3A_112 = arith.addf %add3A_39, %add3A_39 : f32
    %sub3A_113 = arith.subf %add3A_112, %mul3A_84 : f32
    %broadcast_in_dim3A_114 = vector.broadcast %sub3A_113 : f32 to vector<16xf32>
    %swap3A_115 = arith.constant 4112 : index
    %swap3A_116 = tpu.vector_load %arg7[%swap3A_115] {strides = array<i32>} : memref<16464xf32, #tpu.memory_space<vmem>>, vector<16xf32>,
    tpu.vector_store %arg7[%swap3A_115], %broadcast_in_dim3A_114 {strides = array<i32>} : memref<16464xf32, #tpu.memory_space<vmem>>, vector<16xf32>,
    %add3A_117 = arith.addf %add3A_52, %add3A_39 : f32
    %sub3A_118 = arith.subf %add3A_117, %mul3A_84 : f32
    %broadcast_in_dim3A_119 = vector.broadcast %sub3A_118 : f32 to vector<16xf32>
    %swap3A_120 = arith.constant 4128 : index
    %swap3A_121 = tpu.vector_load %arg7[%swap3A_120] {strides = array<i32>} : memref<16464xf32, #tpu.memory_space<vmem>>, vector<16xf32>,
    tpu.vector_store %arg7[%swap3A_120], %broadcast_in_dim3A_119 {strides = array<i32>} : memref<16464xf32, #tpu.memory_space<vmem>>, vector<16xf32>,
    %add3A_122 = arith.addf %add3A_65, %add3A_39 : f32
    %sub3A_123 = arith.subf %add3A_122, %mul3A_84 : f32
    %broadcast_in_dim3A_124 = vector.broadcast %sub3A_123 : f32 to vector<16xf32>
    %swap3A_125 = arith.constant 4144 : index
    %swap3A_126 = tpu.vector_load %arg7[%swap3A_125] {strides = array<i32>} : memref<16464xf32, #tpu.memory_space<vmem>>, vector<16xf32>,
    tpu.vector_store %arg7[%swap3A_125], %broadcast_in_dim3A_124 {strides = array<i32>} : memref<16464xf32, #tpu.memory_space<vmem>>, vector<16xf32>,
    %add3A_127 = arith.addf %add3A_78, %add3A_39 : f32
    %sub3A_128 = arith.subf %add3A_127, %mul3A_84 : f32
    %broadcast_in_dim3A_129 = vector.broadcast %sub3A_128 : f32 to vector<16xf32>
    %swap3A_130 = arith.constant 4160 : index
    %swap3A_131 = tpu.vector_load %arg7[%swap3A_130] {strides = array<i32>} : memref<16464xf32, #tpu.memory_space<vmem>>, vector<16xf32>,
    tpu.vector_store %arg7[%swap3A_130], %broadcast_in_dim3A_129 {strides = array<i32>} : memref<16464xf32, #tpu.memory_space<vmem>>, vector<16xf32>,
    %add3A_132 = arith.addf %add3A_26, %add3A_52 : f32
    %sub3A_133 = arith.subf %add3A_132, %mul3A_84 : f32
    %broadcast_in_dim3A_134 = vector.broadcast %sub3A_133 : f32 to vector<16xf32>
    %swap3A_135 = arith.constant 8192 : index
    %swap3A_136 = tpu.vector_load %arg7[%swap3A_135] {strides = array<i32>} : memref<16464xf32, #tpu.memory_space<vmem>>, vector<16xf32>,
    tpu.vector_store %arg7[%swap3A_135], %broadcast_in_dim3A_134 {strides = array<i32>} : memref<16464xf32, #tpu.memory_space<vmem>>, vector<16xf32>,
    %add3A_137 = arith.addf %add3A_39, %add3A_52 : f32
    %sub3A_138 = arith.subf %add3A_137, %mul3A_84 : f32
    %broadcast_in_dim3A_139 = vector.broadcast %sub3A_138 : f32 to vector<16xf32>
    %swap3A_140 = arith.constant 8208 : index
    %swap3A_141 = tpu.vector_load %arg7[%swap3A_140] {strides = array<i32>} : memref<16464xf32, #tpu.memory_space<vmem>>, vector<16xf32>,
    tpu.vector_store %arg7[%swap3A_140], %broadcast_in_dim3A_139 {strides = array<i32>} : memref<16464xf32, #tpu.memory_space<vmem>>, vector<16xf32>,
    %add3A_142 = arith.addf %add3A_52, %add3A_52 : f32
    %sub3A_143 = arith.subf %add3A_142, %mul3A_84 : f32
    %broadcast_in_dim3A_144 = vector.broadcast %sub3A_143 : f32 to vector<16xf32>
    %swap3A_145 = arith.constant 8224 : index
    %swap3A_146 = tpu.vector_load %arg7[%swap3A_145] {strides = array<i32>} : memref<16464xf32, #tpu.memory_space<vmem>>, vector<16xf32>,
    tpu.vector_store %arg7[%swap3A_145], %broadcast_in_dim3A_144 {strides = array<i32>} : memref<16464xf32, #tpu.memory_space<vmem>>, vector<16xf32>,
    %add3A_147 = arith.addf %add3A_65, %add3A_52 : f32
    %sub3A_148 = arith.subf %add3A_147, %mul3A_84 : f32
    %broadcast_in_dim3A_149 = vector.broadcast %sub3A_148 : f32 to vector<16xf32>
    %swap3A_150 = arith.constant 8240 : index
    %swap3A_151 = tpu.vector_load %arg7[%swap3A_150] {strides = array<i32>} : memref<16464xf32, #tpu.memory_space<vmem>>, vector<16xf32>,
    tpu.vector_store %arg7[%swap3A_150], %broadcast_in_dim3A_149 {strides = array<i32>} : memref<16464xf32, #tpu.memory_space<vmem>>, vector<16xf32>,
    %add3A_152 = arith.addf %add3A_78, %add3A_52 : f32
    %sub3A_153 = arith.subf %add3A_152, %mul3A_84 : f32
    %broadcast_in_dim3A_154 = vector.broadcast %sub3A_153 : f32 to vector<16xf32>
    %swap3A_155 = arith.constant 8256 : index
    %swap3A_156 = tpu.vector_load %arg7[%swap3A_155] {strides = array<i32>} : memref<16464xf32, #tpu.memory_space<vmem>>, vector<16xf32>,
    tpu.vector_store %arg7[%swap3A_155], %broadcast_in_dim3A_154 {strides = array<i32>} : memref<16464xf32, #tpu.memory_space<vmem>>, vector<16xf32>,
    %add3A_157 = arith.addf %add3A_26, %add3A_65 : f32
    %sub3A_158 = arith.subf %add3A_157, %mul3A_84 : f32
    %broadcast_in_dim3A_159 = vector.broadcast %sub3A_158 : f32 to vector<16xf32>
    %swap3A_160 = arith.constant 12288 : index
    %swap3A_161 = tpu.vector_load %arg7[%swap3A_160] {strides = array<i32>} : memref<16464xf32, #tpu.memory_space<vmem>>, vector<16xf32>,
    tpu.vector_store %arg7[%swap3A_160], %broadcast_in_dim3A_159 {strides = array<i32>} : memref<16464xf32, #tpu.memory_space<vmem>>, vector<16xf32>,
    %add3A_162 = arith.addf %add3A_39, %add3A_65 : f32
    %sub3A_163 = arith.subf %add3A_162, %mul3A_84 : f32
    %broadcast_in_dim3A_164 = vector.broadcast %sub3A_163 : f32 to vector<16xf32>
    %swap3A_165 = arith.constant 12304 : index
    %swap3A_166 = tpu.vector_load %arg7[%swap3A_165] {strides = array<i32>} : memref<16464xf32, #tpu.memory_space<vmem>>, vector<16xf32>,
    tpu.vector_store %arg7[%swap3A_165], %broadcast_in_dim3A_164 {strides = array<i32>} : memref<16464xf32, #tpu.memory_space<vmem>>, vector<16xf32>,
    %add3A_167 = arith.addf %add3A_52, %add3A_65 : f32
    %sub3A_168 = arith.subf %add3A_167, %mul3A_84 : f32
    %broadcast_in_dim3A_169 = vector.broadcast %sub3A_168 : f32 to vector<16xf32>
    %swap3A_170 = arith.constant 12320 : index
    %swap3A_171 = tpu.vector_load %arg7[%swap3A_170] {strides = array<i32>} : memref<16464xf32, #tpu.memory_space<vmem>>, vector<16xf32>,
    tpu.vector_store %arg7[%swap3A_170], %broadcast_in_dim3A_169 {strides = array<i32>} : memref<16464xf32, #tpu.memory_space<vmem>>, vector<16xf32>,
    %add3A_172 = arith.addf %add3A_65, %add3A_65 : f32
    %sub3A_173 = arith.subf %add3A_172, %mul3A_84 : f32
    %broadcast_in_dim3A_174 = vector.broadcast %sub3A_173 : f32 to vector<16xf32>
    %swap3A_175 = arith.constant 12336 : index
    %swap3A_176 = tpu.vector_load %arg7[%swap3A_175] {strides = array<i32>} : memref<16464xf32, #tpu.memory_space<vmem>>, vector<16xf32>,
    tpu.vector_store %arg7[%swap3A_175], %broadcast_in_dim3A_174 {strides = array<i32>} : memref<16464xf32, #tpu.memory_space<vmem>>, vector<16xf32>,
    %add3A_177 = arith.addf %add3A_78, %add3A_65 : f32
    %sub3A_178 = arith.subf %add3A_177, %mul3A_84 : f32
    %broadcast_in_dim3A_179 = vector.broadcast %sub3A_178 : f32 to vector<16xf32>
    %swap3A_180 = arith.constant 12352 : index
    %swap3A_181 = tpu.vector_load %arg7[%swap3A_180] {strides = array<i32>} : memref<16464xf32, #tpu.memory_space<vmem>>, vector<16xf32>,
    tpu.vector_store %arg7[%swap3A_180], %broadcast_in_dim3A_179 {strides = array<i32>} : memref<16464xf32, #tpu.memory_space<vmem>>, vector<16xf32>,
    %add3A_182 = arith.addf %add3A_26, %add3A_78 : f32
    %sub3A_183 = arith.subf %add3A_182, %mul3A_84 : f32
    %broadcast_in_dim3A_184 = vector.broadcast %sub3A_183 : f32 to vector<16xf32>
    %swap3A_185 = arith.constant 16384 : index
    %swap3A_186 = tpu.vector_load %arg7[%swap3A_185] {strides = array<i32>} : memref<16464xf32, #tpu.memory_space<vmem>>, vector<16xf32>,
    tpu.vector_store %arg7[%swap3A_185], %broadcast_in_dim3A_184 {strides = array<i32>} : memref<16464xf32, #tpu.memory_space<vmem>>, vector<16xf32>,
    %add3A_187 = arith.addf %add3A_39, %add3A_78 : f32
    %sub3A_188 = arith.subf %add3A_187, %mul3A_84 : f32
    %broadcast_in_dim3A_189 = vector.broadcast %sub3A_188 : f32 to vector<16xf32>
    %swap3A_190 = arith.constant 16400 : index
    %swap3A_191 = tpu.vector_load %arg7[%swap3A_190] {strides = array<i32>} : memref<16464xf32, #tpu.memory_space<vmem>>, vector<16xf32>,
    tpu.vector_store %arg7[%swap3A_190], %broadcast_in_dim3A_189 {strides = array<i32>} : memref<16464xf32, #tpu.memory_space<vmem>>, vector<16xf32>,
    %add3A_192 = arith.addf %add3A_52, %add3A_78 : f32
    %sub3A_193 = arith.subf %add3A_192, %mul3A_84 : f32
    %broadcast_in_dim3A_194 = vector.broadcast %sub3A_193 : f32 to vector<16xf32>
    %swap3A_195 = arith.constant 16416 : index
    %swap3A_196 = tpu.vector_load %arg7[%swap3A_195] {strides = array<i32>} : memref<16464xf32, #tpu.memory_space<vmem>>, vector<16xf32>,
    tpu.vector_store %arg7[%swap3A_195], %broadcast_in_dim3A_194 {strides = array<i32>} : memref<16464xf32, #tpu.memory_space<vmem>>, vector<16xf32>,
    %add3A_197 = arith.addf %add3A_65, %add3A_78 : f32
    %sub3A_198 = arith.subf %add3A_197, %mul3A_84 : f32
    %broadcast_in_dim3A_199 = vector.broadcast %sub3A_198 : f32 to vector<16xf32>
    %swap3A_200 = arith.constant 16432 : index
    %swap3A_201 = tpu.vector_load %arg7[%swap3A_200] {strides = array<i32>} : memref<16464xf32, #tpu.memory_space<vmem>>, vector<16xf32>,
    tpu.vector_store %arg7[%swap3A_200], %broadcast_in_dim3A_199 {strides = array<i32>} : memref<16464xf32, #tpu.memory_space<vmem>>, vector<16xf32>,
    %add3A_202 = arith.addf %add3A_78, %add3A_78 : f32
    %sub3A_203 = arith.subf %add3A_202, %mul3A_84 : f32
    %broadcast_in_dim3A_204 = vector.broadcast %sub3A_203 : f32 to vector<16xf32>
    %swap3A_205 = arith.constant 16448 : index
    %swap3A_206 = tpu.vector_load %arg7[%swap3A_205] {strides = array<i32>} : memref<16464xf32, #tpu.memory_space<vmem>>, vector<16xf32>,
    tpu.vector_store %arg7[%swap3A_205], %broadcast_in_dim3A_204 {strides = array<i32>} : memref<16464xf32, #tpu.memory_space<vmem>>, vector<16xf32>,
    %iota3A = tpu.iota {dimensions = array<i32: 0>} : vector<16xi32>
    %broadcast_in_dim3A_207 = arith.constant 0.000000e+00 : f32
    %broadcast_in_dim3A_208 = vector.broadcast %broadcast_in_dim3A_207 : f32 to vector<16xf32>
    %add3A_209 = arith.constant 0 : i32
    %add3A_210 = arith.addi %mul3A_2, %add3A_209 : i32
    %dma_wait3A = arith.constant 0 : i32
    %dma_wait3A_211 = arith.constant 0 : i32
    %dma_wait3A_212 = arith.constant 0 : i32
    %dma_wait3A_213 = tpu.memref_slice %arg5[%dma_wait3A, %dma_wait3A_211, %dma_wait3A_212] : memref<2x200x256xi8, #tpu.memory_space<vmem>> -> memref<1x200x256xi8, #tpu.memory_space<vmem>>
    %dma_wait3A_214 = tpu.memref_squeeze %dma_wait3A_213 : memref<1x200x256xi8, #tpu.memory_space<vmem>> -> memref<200x256xi8, #tpu.memory_space<vmem>>
    %dma_wait3A_215 = arith.constant 0 : i32
    %dma_wait3A_216 = tpu.memref_slice %arg2[%dma_wait3A_215, %add3A_210] : memref<200x16384xi8, #tpu.memory_space<hbm>> -> memref<200x256xi8, #tpu.memory_space<hbm>>
    %dma_wait3A_217 = arith.constant 0 : i32
    %dma_wait3A_218 = arith.constant 0 : i32
    %dma_wait3A_219 = tpu.memref_slice %arg5[%dma_wait3A, %dma_wait3A_217, %dma_wait3A_218] : memref<2x200x256xi8, #tpu.memory_space<vmem>> -> memref<1x200x256xi8, #tpu.memory_space<vmem>>
    %dma_wait3A_220 = tpu.memref_squeeze %dma_wait3A_219 : memref<1x200x256xi8, #tpu.memory_space<vmem>> -> memref<200x256xi8, #tpu.memory_space<vmem>>
    %dma_wait3A_221 = arith.constant 0 : i32
    %dma_wait3A_222 = tpu.memref_slice %arg2[%dma_wait3A_221, %add3A_210] : memref<200x16384xi8, #tpu.memory_space<hbm>> -> memref<200x256xi8, #tpu.memory_space<hbm>>
    tpu.wait_dma2 semaphore(%arg9 : memref<!tpu.dma_semaphore, #tpu.memory_space<semaphore_mem>>) src(%dma_wait3A_222 : memref<200x256xi8, #tpu.memory_space<hbm>>) dst(%dma_wait3A_220 : memref<200x256xi8, #tpu.memory_space<vmem>>)
    %add3A_223 = arith.constant 256 : i32
    %add3A_224 = arith.addi %mul3A_2, %add3A_223 : i32
    %dma_start3A_225 = arith.constant 1 : i32
    %dma_start3A_226 = arith.constant 0 : i32
    %dma_start3A_227 = arith.constant 0 : i32
    %dma_start3A_228 = tpu.memref_slice %arg5[%dma_start3A_225, %dma_start3A_226, %dma_start3A_227] : memref<2x200x256xi8, #tpu.memory_space<vmem>> -> memref<1x200x256xi8, #tpu.memory_space<vmem>>
    %dma_start3A_229 = tpu.memref_squeeze %dma_start3A_228 : memref<1x200x256xi8, #tpu.memory_space<vmem>> -> memref<200x256xi8, #tpu.memory_space<vmem>>
    %dma_start3A_230 = arith.constant 0 : i32
    %dma_start3A_231 = tpu.memref_slice %arg2[%dma_start3A_230, %add3A_224] : memref<200x16384xi8, #tpu.memory_space<hbm>> -> memref<200x256xi8, #tpu.memory_space<hbm>>
    %dma_start3A_232 = arith.constant 0 : i32
    %dma_start3A_233 = arith.constant 0 : i32
    %dma_start3A_234 = tpu.memref_slice %arg5[%dma_start3A_225, %dma_start3A_232, %dma_start3A_233] : memref<2x200x256xi8, #tpu.memory_space<vmem>> -> memref<1x200x256xi8, #tpu.memory_space<vmem>>
    %dma_start3A_235 = tpu.memref_squeeze %dma_start3A_234 : memref<1x200x256xi8, #tpu.memory_space<vmem>> -> memref<200x256xi8, #tpu.memory_space<vmem>>
    %dma_start3A_236 = arith.constant 0 : i32
    %dma_start3A_237 = tpu.memref_slice %arg2[%dma_start3A_236, %add3A_224] : memref<200x16384xi8, #tpu.memory_space<hbm>> -> memref<200x256xi8, #tpu.memory_space<hbm>>
    tpu.enqueue_dma source(%dma_start3A_237 : memref<200x256xi8, #tpu.memory_space<hbm>>) target(%dma_start3A_235 : memref<200x256xi8, #tpu.memory_space<vmem>>) target_semaphore(%arg10 : memref<!tpu.dma_semaphore, #tpu.memory_space<semaphore_mem>>)
    %parallel_loop3A = arith.constant 0 : i32
    %parallel_loop3A_238 = arith.constant 200 : i32
    %parallel_loop3A_239 = arith.constant 1 : i32
    %parallel_loop3A_240 = arith.constant 0 : i32
    %parallel_loop3A_241:8 = scf.for %parallel_loop3A_275 = %parallel_loop3A to %parallel_loop3A_238 step %parallel_loop3A_239 iter_args(%parallel_loop3A_276 = %broadcast_in_dim3A_208, %parallel_loop3A_277 = %broadcast_in_dim3A_208, %parallel_loop3A_278 = %broadcast_in_dim3A_208, %parallel_loop3A_279 = %broadcast_in_dim3A_208, %parallel_loop3A_280 = %broadcast_in_dim3A_208, %parallel_loop3A_281 = %broadcast_in_dim3A_208, %parallel_loop3A_282 = %broadcast_in_dim3A_208, %parallel_loop3A_283 = %broadcast_in_dim3A_208) -> (vector<16xf32>, vector<16xf32>, vector<16xf32>, vector<16xf32>, vector<16xf32>, vector<16xf32>, vector<16xf32>, vector<16xf32>)  : i32 {
      %parallel_loop3A_284 = arith.constant 0 : i32
      %parallel_loop3A_285 = arith.constant 0 : i32
      %parallel_loop3A_286 = tpu.memref_slice %arg5[%parallel_loop3A_240, %parallel_loop3A_284, %parallel_loop3A_285] : memref<2x200x256xi8, #tpu.memory_space<vmem>> -> memref<1x200x256xi8, #tpu.memory_space<vmem>>
      %parallel_loop3A_287 = tpu.memref_squeeze %parallel_loop3A_286 : memref<1x200x256xi8, #tpu.memory_space<vmem>> -> memref<200x256xi8, #tpu.memory_space<vmem>>
      %parallel_loop3A_288 = arith.index_cast %parallel_loop3A_275 : i32 to index
      %parallel_loop3A_289 = arith.constant 0 : index
      %parallel_loop3A_290 = tpu.vector_load %parallel_loop3A_287[%parallel_loop3A_288, %parallel_loop3A_289] {strides = array<i32>} : memref<200x256xi8, #tpu.memory_space<vmem>>, vector<64xi8>,
      %parallel_loop3A_291 = vector.bitcast %parallel_loop3A_290 : vector<64xi8> to vector<16xi32>
      %parallel_loop3A_292 = arith.constant 65535 : i32
      %parallel_loop3A_293 = vector.broadcast %parallel_loop3A_292 : i32 to vector<16xi32>
      %parallel_loop3A_294 = arith.andi %parallel_loop3A_291, %parallel_loop3A_293 : vector<16xi32>
      %parallel_loop3A_295 = arith.constant 4 : i32
      %parallel_loop3A_296 = vector.broadcast %parallel_loop3A_295 : i32 to vector<16xi32>
      %parallel_loop3A_297 = arith.shli %parallel_loop3A_294, %parallel_loop3A_296 : vector<16xi32>
      %parallel_loop3A_298 = arith.addi %parallel_loop3A_297, %iota3A : vector<16xi32>
      %parallel_loop3A_299 = arith.constant 16 : i32
      %parallel_loop3A_300 = vector.broadcast %parallel_loop3A_299 : i32 to vector<16xi32>
      %parallel_loop3A_301 = arith.shrsi %parallel_loop3A_291, %parallel_loop3A_300 : vector<16xi32>
      %parallel_loop3A_302 = arith.constant 4 : i32
      %parallel_loop3A_303 = vector.broadcast %parallel_loop3A_302 : i32 to vector<16xi32>
      %parallel_loop3A_304 = arith.shli %parallel_loop3A_301, %parallel_loop3A_303 : vector<16xi32>
      %parallel_loop3A_305 = arith.addi %parallel_loop3A_304, %iota3A : vector<16xi32>
      %parallel_loop3A_306 = tpu.vector_load_idx %arg7[%parallel_loop3A_298] : memref<16464xf32, #tpu.memory_space<vmem>>[vector<16xi32>], vector<16xf32>,
      %parallel_loop3A_307 = arith.addf %parallel_loop3A_276, %parallel_loop3A_306 : vector<16xf32>
      %parallel_loop3A_308 = tpu.vector_load_idx %arg7[%parallel_loop3A_305] : memref<16464xf32, #tpu.memory_space<vmem>>[vector<16xi32>], vector<16xf32>,
      %parallel_loop3A_309 = arith.addf %parallel_loop3A_277, %parallel_loop3A_308 : vector<16xf32>
      %parallel_loop3A_310 = arith.constant 0 : i32
      %parallel_loop3A_311 = arith.constant 0 : i32
      %parallel_loop3A_312 = tpu.memref_slice %arg5[%parallel_loop3A_240, %parallel_loop3A_310, %parallel_loop3A_311] : memref<2x200x256xi8, #tpu.memory_space<vmem>> -> memref<1x200x256xi8, #tpu.memory_space<vmem>>
      %parallel_loop3A_313 = tpu.memref_squeeze %parallel_loop3A_312 : memref<1x200x256xi8, #tpu.memory_space<vmem>> -> memref<200x256xi8, #tpu.memory_space<vmem>>
      %parallel_loop3A_314 = arith.index_cast %parallel_loop3A_275 : i32 to index
      %parallel_loop3A_315 = arith.constant 64 : index
      %parallel_loop3A_316 = tpu.vector_load %parallel_loop3A_313[%parallel_loop3A_314, %parallel_loop3A_315] {strides = array<i32>} : memref<200x256xi8, #tpu.memory_space<vmem>>, vector<64xi8>,
      %parallel_loop3A_317 = vector.bitcast %parallel_loop3A_316 : vector<64xi8> to vector<16xi32>
      %parallel_loop3A_318 = arith.constant 65535 : i32
      %parallel_loop3A_319 = vector.broadcast %parallel_loop3A_318 : i32 to vector<16xi32>
      %parallel_loop3A_320 = arith.andi %parallel_loop3A_317, %parallel_loop3A_319 : vector<16xi32>
      %parallel_loop3A_321 = arith.constant 4 : i32
      %parallel_loop3A_322 = vector.broadcast %parallel_loop3A_321 : i32 to vector<16xi32>
      %parallel_loop3A_323 = arith.shli %parallel_loop3A_320, %parallel_loop3A_322 : vector<16xi32>
      %parallel_loop3A_324 = arith.addi %parallel_loop3A_323, %iota3A : vector<16xi32>
      %parallel_loop3A_325 = arith.constant 16 : i32
      %parallel_loop3A_326 = vector.broadcast %parallel_loop3A_325 : i32 to vector<16xi32>
      %parallel_loop3A_327 = arith.shrsi %parallel_loop3A_317, %parallel_loop3A_326 : vector<16xi32>
      %parallel_loop3A_328 = arith.constant 4 : i32
      %parallel_loop3A_329 = vector.broadcast %parallel_loop3A_328 : i32 to vector<16xi32>
      %parallel_loop3A_330 = arith.shli %parallel_loop3A_327, %parallel_loop3A_329 : vector<16xi32>
      %parallel_loop3A_331 = arith.addi %parallel_loop3A_330, %iota3A : vector<16xi32>
      %parallel_loop3A_332 = tpu.vector_load_idx %arg7[%parallel_loop3A_324] : memref<16464xf32, #tpu.memory_space<vmem>>[vector<16xi32>], vector<16xf32>,
      %parallel_loop3A_333 = arith.addf %parallel_loop3A_278, %parallel_loop3A_332 : vector<16xf32>
      %parallel_loop3A_334 = tpu.vector_load_idx %arg7[%parallel_loop3A_331] : memref<16464xf32, #tpu.memory_space<vmem>>[vector<16xi32>], vector<16xf32>,
      %parallel_loop3A_335 = arith.addf %parallel_loop3A_279, %parallel_loop3A_334 : vector<16xf32>
      %parallel_loop3A_336 = arith.constant 0 : i32
      %parallel_loop3A_337 = arith.constant 0 : i32
      %parallel_loop3A_338 = tpu.memref_slice %arg5[%parallel_loop3A_240, %parallel_loop3A_336, %parallel_loop3A_337] : memref<2x200x256xi8, #tpu.memory_space<vmem>> -> memref<1x200x256xi8, #tpu.memory_space<vmem>>
      %parallel_loop3A_339 = tpu.memref_squeeze %parallel_loop3A_338 : memref<1x200x256xi8, #tpu.memory_space<vmem>> -> memref<200x256xi8, #tpu.memory_space<vmem>>
      %parallel_loop3A_340 = arith.index_cast %parallel_loop3A_275 : i32 to index
      %parallel_loop3A_341 = arith.constant 128 : index
      %parallel_loop3A_342 = tpu.vector_load %parallel_loop3A_339[%parallel_loop3A_340, %parallel_loop3A_341] {strides = array<i32>} : memref<200x256xi8, #tpu.memory_space<vmem>>, vector<64xi8>,
      %parallel_loop3A_343 = vector.bitcast %parallel_loop3A_342 : vector<64xi8> to vector<16xi32>
      %parallel_loop3A_344 = arith.constant 65535 : i32
      %parallel_loop3A_345 = vector.broadcast %parallel_loop3A_344 : i32 to vector<16xi32>
      %parallel_loop3A_346 = arith.andi %parallel_loop3A_343, %parallel_loop3A_345 : vector<16xi32>
      %parallel_loop3A_347 = arith.constant 4 : i32
      %parallel_loop3A_348 = vector.broadcast %parallel_loop3A_347 : i32 to vector<16xi32>
      %parallel_loop3A_349 = arith.shli %parallel_loop3A_346, %parallel_loop3A_348 : vector<16xi32>
      %parallel_loop3A_350 = arith.addi %parallel_loop3A_349, %iota3A : vector<16xi32>
      %parallel_loop3A_351 = arith.constant 16 : i32
      %parallel_loop3A_352 = vector.broadcast %parallel_loop3A_351 : i32 to vector<16xi32>
      %parallel_loop3A_353 = arith.shrsi %parallel_loop3A_343, %parallel_loop3A_352 : vector<16xi32>
      %parallel_loop3A_354 = arith.constant 4 : i32
      %parallel_loop3A_355 = vector.broadcast %parallel_loop3A_354 : i32 to vector<16xi32>
      %parallel_loop3A_356 = arith.shli %parallel_loop3A_353, %parallel_loop3A_355 : vector<16xi32>
      %parallel_loop3A_357 = arith.addi %parallel_loop3A_356, %iota3A : vector<16xi32>
      %parallel_loop3A_358 = tpu.vector_load_idx %arg7[%parallel_loop3A_350] : memref<16464xf32, #tpu.memory_space<vmem>>[vector<16xi32>], vector<16xf32>,
      %parallel_loop3A_359 = arith.addf %parallel_loop3A_280, %parallel_loop3A_358 : vector<16xf32>
      %parallel_loop3A_360 = tpu.vector_load_idx %arg7[%parallel_loop3A_357] : memref<16464xf32, #tpu.memory_space<vmem>>[vector<16xi32>], vector<16xf32>,
      %parallel_loop3A_361 = arith.addf %parallel_loop3A_281, %parallel_loop3A_360 : vector<16xf32>
      %parallel_loop3A_362 = arith.constant 0 : i32
      %parallel_loop3A_363 = arith.constant 0 : i32
      %parallel_loop3A_364 = tpu.memref_slice %arg5[%parallel_loop3A_240, %parallel_loop3A_362, %parallel_loop3A_363] : memref<2x200x256xi8, #tpu.memory_space<vmem>> -> memref<1x200x256xi8, #tpu.memory_space<vmem>>
      %parallel_loop3A_365 = tpu.memref_squeeze %parallel_loop3A_364 : memref<1x200x256xi8, #tpu.memory_space<vmem>> -> memref<200x256xi8, #tpu.memory_space<vmem>>
      %parallel_loop3A_366 = arith.index_cast %parallel_loop3A_275 : i32 to index
      %parallel_loop3A_367 = arith.constant 192 : index
      %parallel_loop3A_368 = tpu.vector_load %parallel_loop3A_365[%parallel_loop3A_366, %parallel_loop3A_367] {strides = array<i32>} : memref<200x256xi8, #tpu.memory_space<vmem>>, vector<64xi8>,
      %parallel_loop3A_369 = vector.bitcast %parallel_loop3A_368 : vector<64xi8> to vector<16xi32>
      %parallel_loop3A_370 = arith.constant 65535 : i32
      %parallel_loop3A_371 = vector.broadcast %parallel_loop3A_370 : i32 to vector<16xi32>
      %parallel_loop3A_372 = arith.andi %parallel_loop3A_369, %parallel_loop3A_371 : vector<16xi32>
      %parallel_loop3A_373 = arith.constant 4 : i32
      %parallel_loop3A_374 = vector.broadcast %parallel_loop3A_373 : i32 to vector<16xi32>
      %parallel_loop3A_375 = arith.shli %parallel_loop3A_372, %parallel_loop3A_374 : vector<16xi32>
      %parallel_loop3A_376 = arith.addi %parallel_loop3A_375, %iota3A : vector<16xi32>
      %parallel_loop3A_377 = arith.constant 16 : i32
      %parallel_loop3A_378 = vector.broadcast %parallel_loop3A_377 : i32 to vector<16xi32>
      %parallel_loop3A_379 = arith.shrsi %parallel_loop3A_369, %parallel_loop3A_378 : vector<16xi32>
      %parallel_loop3A_380 = arith.constant 4 : i32
      %parallel_loop3A_381 = vector.broadcast %parallel_loop3A_380 : i32 to vector<16xi32>
      %parallel_loop3A_382 = arith.shli %parallel_loop3A_379, %parallel_loop3A_381 : vector<16xi32>
      %parallel_loop3A_383 = arith.addi %parallel_loop3A_382, %iota3A : vector<16xi32>
      %parallel_loop3A_384 = tpu.vector_load_idx %arg7[%parallel_loop3A_376] : memref<16464xf32, #tpu.memory_space<vmem>>[vector<16xi32>], vector<16xf32>,
      %parallel_loop3A_385 = arith.addf %parallel_loop3A_282, %parallel_loop3A_384 : vector<16xf32>
      %parallel_loop3A_386 = tpu.vector_load_idx %arg7[%parallel_loop3A_383] : memref<16464xf32, #tpu.memory_space<vmem>>[vector<16xi32>], vector<16xf32>,
      %parallel_loop3A_387 = arith.addf %parallel_loop3A_283, %parallel_loop3A_386 : vector<16xf32>
      scf.yield %parallel_loop3A_307, %parallel_loop3A_309, %parallel_loop3A_333, %parallel_loop3A_335, %parallel_loop3A_359, %parallel_loop3A_361, %parallel_loop3A_385, %parallel_loop3A_387 : vector<16xf32>, vector<16xf32>, vector<16xf32>, vector<16xf32>, vector<16xf32>, vector<16xf32>, vector<16xf32>, vector<16xf32>
    } {sc.loop_unroll_factor = 2 : i64, sc.parallel_access}
    %add3A_242 = arith.constant 256 : i32
    %add3A_243 = arith.addi %mul3A_2, %add3A_242 : i32
    %dma_wait3A_244 = arith.constant 1 : i32
    %dma_wait3A_245 = arith.constant 0 : i32
    %dma_wait3A_246 = arith.constant 0 : i32
    %dma_wait3A_247 = tpu.memref_slice %arg5[%dma_wait3A_244, %dma_wait3A_245, %dma_wait3A_246] : memref<2x200x256xi8, #tpu.memory_space<vmem>> -> memref<1x200x256xi8, #tpu.memory_space<vmem>>
    %dma_wait3A_248 = tpu.memref_squeeze %dma_wait3A_247 : memref<1x200x256xi8, #tpu.memory_space<vmem>> -> memref<200x256xi8, #tpu.memory_space<vmem>>
    %dma_wait3A_249 = arith.constant 0 : i32
    %dma_wait3A_250 = tpu.memref_slice %arg2[%dma_wait3A_249, %add3A_243] : memref<200x16384xi8, #tpu.memory_space<hbm>> -> memref<200x256xi8, #tpu.memory_space<hbm>>
    %dma_wait3A_251 = arith.constant 0 : i32
    %dma_wait3A_252 = arith.constant 0 : i32
    %dma_wait3A_253 = tpu.memref_slice %arg5[%dma_wait3A_244, %dma_wait3A_251, %dma_wait3A_252] : memref<2x200x256xi8, #tpu.memory_space<vmem>> -> memref<1x200x256xi8, #tpu.memory_space<vmem>>
    %dma_wait3A_254 = tpu.memref_squeeze %dma_wait3A_253 : memref<1x200x256xi8, #tpu.memory_space<vmem>> -> memref<200x256xi8, #tpu.memory_space<vmem>>
    %dma_wait3A_255 = arith.constant 0 : i32
    %dma_wait3A_256 = tpu.memref_slice %arg2[%dma_wait3A_255, %add3A_243] : memref<200x16384xi8, #tpu.memory_space<hbm>> -> memref<200x256xi8, #tpu.memory_space<hbm>>
    tpu.wait_dma2 semaphore(%arg10 : memref<!tpu.dma_semaphore, #tpu.memory_space<semaphore_mem>>) src(%dma_wait3A_256 : memref<200x256xi8, #tpu.memory_space<hbm>>) dst(%dma_wait3A_254 : memref<200x256xi8, #tpu.memory_space<vmem>>)
    %parallel_loop3A_257 = arith.constant 0 : i32
    %parallel_loop3A_258 = arith.constant 200 : i32
    %parallel_loop3A_259 = arith.constant 1 : i32
    %parallel_loop3A_260 = arith.constant 1 : i32
    %parallel_loop3A_261:8 = scf.for %parallel_loop3A_275 = %parallel_loop3A_257 to %parallel_loop3A_258 step %parallel_loop3A_259 iter_args(%parallel_loop3A_276 = %parallel_loop3A_241#0, %parallel_loop3A_277 = %parallel_loop3A_241#1, %parallel_loop3A_278 = %parallel_loop3A_241#2, %parallel_loop3A_279 = %parallel_loop3A_241#3, %parallel_loop3A_280 = %parallel_loop3A_241#4, %parallel_loop3A_281 = %parallel_loop3A_241#5, %parallel_loop3A_282 = %parallel_loop3A_241#6, %parallel_loop3A_283 = %parallel_loop3A_241#7) -> (vector<16xf32>, vector<16xf32>, vector<16xf32>, vector<16xf32>, vector<16xf32>, vector<16xf32>, vector<16xf32>, vector<16xf32>)  : i32 {
      %parallel_loop3A_284 = arith.constant 0 : i32
      %parallel_loop3A_285 = arith.constant 0 : i32
      %parallel_loop3A_286 = tpu.memref_slice %arg5[%parallel_loop3A_260, %parallel_loop3A_284, %parallel_loop3A_285] : memref<2x200x256xi8, #tpu.memory_space<vmem>> -> memref<1x200x256xi8, #tpu.memory_space<vmem>>
      %parallel_loop3A_287 = tpu.memref_squeeze %parallel_loop3A_286 : memref<1x200x256xi8, #tpu.memory_space<vmem>> -> memref<200x256xi8, #tpu.memory_space<vmem>>
      %parallel_loop3A_288 = arith.index_cast %parallel_loop3A_275 : i32 to index
      %parallel_loop3A_289 = arith.constant 0 : index
      %parallel_loop3A_290 = tpu.vector_load %parallel_loop3A_287[%parallel_loop3A_288, %parallel_loop3A_289] {strides = array<i32>} : memref<200x256xi8, #tpu.memory_space<vmem>>, vector<64xi8>,
      %parallel_loop3A_291 = vector.bitcast %parallel_loop3A_290 : vector<64xi8> to vector<16xi32>
      %parallel_loop3A_292 = arith.constant 65535 : i32
      %parallel_loop3A_293 = vector.broadcast %parallel_loop3A_292 : i32 to vector<16xi32>
      %parallel_loop3A_294 = arith.andi %parallel_loop3A_291, %parallel_loop3A_293 : vector<16xi32>
      %parallel_loop3A_295 = arith.constant 4 : i32
      %parallel_loop3A_296 = vector.broadcast %parallel_loop3A_295 : i32 to vector<16xi32>
      %parallel_loop3A_297 = arith.shli %parallel_loop3A_294, %parallel_loop3A_296 : vector<16xi32>
      %parallel_loop3A_298 = arith.addi %parallel_loop3A_297, %iota3A : vector<16xi32>
      %parallel_loop3A_299 = arith.constant 16 : i32
      %parallel_loop3A_300 = vector.broadcast %parallel_loop3A_299 : i32 to vector<16xi32>
      %parallel_loop3A_301 = arith.shrsi %parallel_loop3A_291, %parallel_loop3A_300 : vector<16xi32>
      %parallel_loop3A_302 = arith.constant 4 : i32
      %parallel_loop3A_303 = vector.broadcast %parallel_loop3A_302 : i32 to vector<16xi32>
      %parallel_loop3A_304 = arith.shli %parallel_loop3A_301, %parallel_loop3A_303 : vector<16xi32>
      %parallel_loop3A_305 = arith.addi %parallel_loop3A_304, %iota3A : vector<16xi32>
      %parallel_loop3A_306 = tpu.vector_load_idx %arg7[%parallel_loop3A_298] : memref<16464xf32, #tpu.memory_space<vmem>>[vector<16xi32>], vector<16xf32>,
      %parallel_loop3A_307 = arith.addf %parallel_loop3A_276, %parallel_loop3A_306 : vector<16xf32>
      %parallel_loop3A_308 = tpu.vector_load_idx %arg7[%parallel_loop3A_305] : memref<16464xf32, #tpu.memory_space<vmem>>[vector<16xi32>], vector<16xf32>,
      %parallel_loop3A_309 = arith.addf %parallel_loop3A_277, %parallel_loop3A_308 : vector<16xf32>
      %parallel_loop3A_310 = arith.constant 0 : i32
      %parallel_loop3A_311 = arith.constant 0 : i32
      %parallel_loop3A_312 = tpu.memref_slice %arg5[%parallel_loop3A_260, %parallel_loop3A_310, %parallel_loop3A_311] : memref<2x200x256xi8, #tpu.memory_space<vmem>> -> memref<1x200x256xi8, #tpu.memory_space<vmem>>
      %parallel_loop3A_313 = tpu.memref_squeeze %parallel_loop3A_312 : memref<1x200x256xi8, #tpu.memory_space<vmem>> -> memref<200x256xi8, #tpu.memory_space<vmem>>
      %parallel_loop3A_314 = arith.index_cast %parallel_loop3A_275 : i32 to index
      %parallel_loop3A_315 = arith.constant 64 : index
      %parallel_loop3A_316 = tpu.vector_load %parallel_loop3A_313[%parallel_loop3A_314, %parallel_loop3A_315] {strides = array<i32>} : memref<200x256xi8, #tpu.memory_space<vmem>>, vector<64xi8>,
      %parallel_loop3A_317 = vector.bitcast %parallel_loop3A_316 : vector<64xi8> to vector<16xi32>
      %parallel_loop3A_318 = arith.constant 65535 : i32
      %parallel_loop3A_319 = vector.broadcast %parallel_loop3A_318 : i32 to vector<16xi32>
      %parallel_loop3A_320 = arith.andi %parallel_loop3A_317, %parallel_loop3A_319 : vector<16xi32>
      %parallel_loop3A_321 = arith.constant 4 : i32
      %parallel_loop3A_322 = vector.broadcast %parallel_loop3A_321 : i32 to vector<16xi32>
      %parallel_loop3A_323 = arith.shli %parallel_loop3A_320, %parallel_loop3A_322 : vector<16xi32>
      %parallel_loop3A_324 = arith.addi %parallel_loop3A_323, %iota3A : vector<16xi32>
      %parallel_loop3A_325 = arith.constant 16 : i32
      %parallel_loop3A_326 = vector.broadcast %parallel_loop3A_325 : i32 to vector<16xi32>
      %parallel_loop3A_327 = arith.shrsi %parallel_loop3A_317, %parallel_loop3A_326 : vector<16xi32>
      %parallel_loop3A_328 = arith.constant 4 : i32
      %parallel_loop3A_329 = vector.broadcast %parallel_loop3A_328 : i32 to vector<16xi32>
      %parallel_loop3A_330 = arith.shli %parallel_loop3A_327, %parallel_loop3A_329 : vector<16xi32>
      %parallel_loop3A_331 = arith.addi %parallel_loop3A_330, %iota3A : vector<16xi32>
      %parallel_loop3A_332 = tpu.vector_load_idx %arg7[%parallel_loop3A_324] : memref<16464xf32, #tpu.memory_space<vmem>>[vector<16xi32>], vector<16xf32>,
      %parallel_loop3A_333 = arith.addf %parallel_loop3A_278, %parallel_loop3A_332 : vector<16xf32>
      %parallel_loop3A_334 = tpu.vector_load_idx %arg7[%parallel_loop3A_331] : memref<16464xf32, #tpu.memory_space<vmem>>[vector<16xi32>], vector<16xf32>,
      %parallel_loop3A_335 = arith.addf %parallel_loop3A_279, %parallel_loop3A_334 : vector<16xf32>
      %parallel_loop3A_336 = arith.constant 0 : i32
      %parallel_loop3A_337 = arith.constant 0 : i32
      %parallel_loop3A_338 = tpu.memref_slice %arg5[%parallel_loop3A_260, %parallel_loop3A_336, %parallel_loop3A_337] : memref<2x200x256xi8, #tpu.memory_space<vmem>> -> memref<1x200x256xi8, #tpu.memory_space<vmem>>
      %parallel_loop3A_339 = tpu.memref_squeeze %parallel_loop3A_338 : memref<1x200x256xi8, #tpu.memory_space<vmem>> -> memref<200x256xi8, #tpu.memory_space<vmem>>
      %parallel_loop3A_340 = arith.index_cast %parallel_loop3A_275 : i32 to index
      %parallel_loop3A_341 = arith.constant 128 : index
      %parallel_loop3A_342 = tpu.vector_load %parallel_loop3A_339[%parallel_loop3A_340, %parallel_loop3A_341] {strides = array<i32>} : memref<200x256xi8, #tpu.memory_space<vmem>>, vector<64xi8>,
      %parallel_loop3A_343 = vector.bitcast %parallel_loop3A_342 : vector<64xi8> to vector<16xi32>
      %parallel_loop3A_344 = arith.constant 65535 : i32
      %parallel_loop3A_345 = vector.broadcast %parallel_loop3A_344 : i32 to vector<16xi32>
      %parallel_loop3A_346 = arith.andi %parallel_loop3A_343, %parallel_loop3A_345 : vector<16xi32>
      %parallel_loop3A_347 = arith.constant 4 : i32
      %parallel_loop3A_348 = vector.broadcast %parallel_loop3A_347 : i32 to vector<16xi32>
      %parallel_loop3A_349 = arith.shli %parallel_loop3A_346, %parallel_loop3A_348 : vector<16xi32>
      %parallel_loop3A_350 = arith.addi %parallel_loop3A_349, %iota3A : vector<16xi32>
      %parallel_loop3A_351 = arith.constant 16 : i32
      %parallel_loop3A_352 = vector.broadcast %parallel_loop3A_351 : i32 to vector<16xi32>
      %parallel_loop3A_353 = arith.shrsi %parallel_loop3A_343, %parallel_loop3A_352 : vector<16xi32>
      %parallel_loop3A_354 = arith.constant 4 : i32
      %parallel_loop3A_355 = vector.broadcast %parallel_loop3A_354 : i32 to vector<16xi32>
      %parallel_loop3A_356 = arith.shli %parallel_loop3A_353, %parallel_loop3A_355 : vector<16xi32>
      %parallel_loop3A_357 = arith.addi %parallel_loop3A_356, %iota3A : vector<16xi32>
      %parallel_loop3A_358 = tpu.vector_load_idx %arg7[%parallel_loop3A_350] : memref<16464xf32, #tpu.memory_space<vmem>>[vector<16xi32>], vector<16xf32>,
      %parallel_loop3A_359 = arith.addf %parallel_loop3A_280, %parallel_loop3A_358 : vector<16xf32>
      %parallel_loop3A_360 = tpu.vector_load_idx %arg7[%parallel_loop3A_357] : memref<16464xf32, #tpu.memory_space<vmem>>[vector<16xi32>], vector<16xf32>,
      %parallel_loop3A_361 = arith.addf %parallel_loop3A_281, %parallel_loop3A_360 : vector<16xf32>
      %parallel_loop3A_362 = arith.constant 0 : i32
      %parallel_loop3A_363 = arith.constant 0 : i32
      %parallel_loop3A_364 = tpu.memref_slice %arg5[%parallel_loop3A_260, %parallel_loop3A_362, %parallel_loop3A_363] : memref<2x200x256xi8, #tpu.memory_space<vmem>> -> memref<1x200x256xi8, #tpu.memory_space<vmem>>
      %parallel_loop3A_365 = tpu.memref_squeeze %parallel_loop3A_364 : memref<1x200x256xi8, #tpu.memory_space<vmem>> -> memref<200x256xi8, #tpu.memory_space<vmem>>
      %parallel_loop3A_366 = arith.index_cast %parallel_loop3A_275 : i32 to index
      %parallel_loop3A_367 = arith.constant 192 : index
      %parallel_loop3A_368 = tpu.vector_load %parallel_loop3A_365[%parallel_loop3A_366, %parallel_loop3A_367] {strides = array<i32>} : memref<200x256xi8, #tpu.memory_space<vmem>>, vector<64xi8>,
      %parallel_loop3A_369 = vector.bitcast %parallel_loop3A_368 : vector<64xi8> to vector<16xi32>
      %parallel_loop3A_370 = arith.constant 65535 : i32
      %parallel_loop3A_371 = vector.broadcast %parallel_loop3A_370 : i32 to vector<16xi32>
      %parallel_loop3A_372 = arith.andi %parallel_loop3A_369, %parallel_loop3A_371 : vector<16xi32>
      %parallel_loop3A_373 = arith.constant 4 : i32
      %parallel_loop3A_374 = vector.broadcast %parallel_loop3A_373 : i32 to vector<16xi32>
      %parallel_loop3A_375 = arith.shli %parallel_loop3A_372, %parallel_loop3A_374 : vector<16xi32>
      %parallel_loop3A_376 = arith.addi %parallel_loop3A_375, %iota3A : vector<16xi32>
      %parallel_loop3A_377 = arith.constant 16 : i32
      %parallel_loop3A_378 = vector.broadcast %parallel_loop3A_377 : i32 to vector<16xi32>
      %parallel_loop3A_379 = arith.shrsi %parallel_loop3A_369, %parallel_loop3A_378 : vector<16xi32>
      %parallel_loop3A_380 = arith.constant 4 : i32
      %parallel_loop3A_381 = vector.broadcast %parallel_loop3A_380 : i32 to vector<16xi32>
      %parallel_loop3A_382 = arith.shli %parallel_loop3A_379, %parallel_loop3A_381 : vector<16xi32>
      %parallel_loop3A_383 = arith.addi %parallel_loop3A_382, %iota3A : vector<16xi32>
      %parallel_loop3A_384 = tpu.vector_load_idx %arg7[%parallel_loop3A_376] : memref<16464xf32, #tpu.memory_space<vmem>>[vector<16xi32>], vector<16xf32>,
      %parallel_loop3A_385 = arith.addf %parallel_loop3A_282, %parallel_loop3A_384 : vector<16xf32>
      %parallel_loop3A_386 = tpu.vector_load_idx %arg7[%parallel_loop3A_383] : memref<16464xf32, #tpu.memory_space<vmem>>[vector<16xi32>], vector<16xf32>,
      %parallel_loop3A_387 = arith.addf %parallel_loop3A_283, %parallel_loop3A_386 : vector<16xf32>
      scf.yield %parallel_loop3A_307, %parallel_loop3A_309, %parallel_loop3A_333, %parallel_loop3A_335, %parallel_loop3A_359, %parallel_loop3A_361, %parallel_loop3A_385, %parallel_loop3A_387 : vector<16xf32>, vector<16xf32>, vector<16xf32>, vector<16xf32>, vector<16xf32>, vector<16xf32>, vector<16xf32>, vector<16xf32>
    } {sc.loop_unroll_factor = 2 : i64, sc.parallel_access}
    %add3A_262 = arith.addf %parallel_loop3A_261#0, %parallel_loop3A_261#1 : vector<16xf32>
    %add3A_263 = arith.addf %parallel_loop3A_261#2, %parallel_loop3A_261#3 : vector<16xf32>
    %add3A_264 = arith.addf %add3A_262, %add3A_263 : vector<16xf32>
    %add3A_265 = arith.addf %parallel_loop3A_261#4, %parallel_loop3A_261#5 : vector<16xf32>
    %add3A_266 = arith.addf %add3A_264, %add3A_265 : vector<16xf32>
    %add3A_267 = arith.addf %parallel_loop3A_261#6, %parallel_loop3A_261#7 : vector<16xf32>
    %add3A_268 = arith.addf %add3A_266, %add3A_267 : vector<16xf32>
    %mul3A_269 = arith.constant 3.200000e+03 : f32
    %mul3A_270 = arith.mulf %mul3A_269, %mul3A_84 : f32
    %broadcast_in_dim3A_271 = vector.broadcast %mul3A_270 : f32 to vector<16xf32>
    %add3A_272 = arith.addf %add3A_268, %broadcast_in_dim3A_271 : vector<16xf32>
    %swap3A_273 = arith.constant 0 : index
    %swap3A_274 = tpu.vector_load %arg8[%swap3A_273] {strides = array<i32>} : memref<16xf32, #tpu.memory_space<vmem>>, vector<16xf32>,
    tpu.vector_store %arg8[%swap3A_273], %add3A_272 {strides = array<i32>} : memref<16xf32, #tpu.memory_space<vmem>>, vector<16xf32>,
    "tpu.region"() ({
      %run_scoped3A = tpu.sem_alloc : memref<!tpu.dma_semaphore, #tpu.memory_space<semaphore_mem>>
      %dma_start3A_275 = arith.constant 0 : i32
      %dma_start3A_276 = tpu.memref_slice %arg4[%add3A, %dma_start3A_275] : memref<32x16xf32, #tpu.memory_space<hbm>> -> memref<1x16xf32, #tpu.memory_space<hbm>>
      %dma_start3A_277 = tpu.memref_squeeze %dma_start3A_276 : memref<1x16xf32, #tpu.memory_space<hbm>> -> memref<16xf32, #tpu.memory_space<hbm>>
      %dma_start3A_278 = arith.constant 0 : i32
      %dma_start3A_279 = tpu.memref_slice %arg4[%add3A, %dma_start3A_278] : memref<32x16xf32, #tpu.memory_space<hbm>> -> memref<1x16xf32, #tpu.memory_space<hbm>>
      %dma_start3A_280 = tpu.memref_squeeze %dma_start3A_279 : memref<1x16xf32, #tpu.memory_space<hbm>> -> memref<16xf32, #tpu.memory_space<hbm>>
      tpu.enqueue_dma source(%arg8 : memref<16xf32, #tpu.memory_space<vmem>>) target(%dma_start3A_280 : memref<16xf32, #tpu.memory_space<hbm>>) target_semaphore(%run_scoped3A : memref<!tpu.dma_semaphore, #tpu.memory_space<semaphore_mem>>)
      %dma_wait3A_281 = arith.constant 0 : i32
      %dma_wait3A_282 = tpu.memref_slice %arg4[%add3A, %dma_wait3A_281] : memref<32x16xf32, #tpu.memory_space<hbm>> -> memref<1x16xf32, #tpu.memory_space<hbm>>
      %dma_wait3A_283 = tpu.memref_squeeze %dma_wait3A_282 : memref<1x16xf32, #tpu.memory_space<hbm>> -> memref<16xf32, #tpu.memory_space<hbm>>
      %dma_wait3A_284 = arith.constant 0 : i32
      %dma_wait3A_285 = tpu.memref_slice %arg4[%add3A, %dma_wait3A_284] : memref<32x16xf32, #tpu.memory_space<hbm>> -> memref<1x16xf32, #tpu.memory_space<hbm>>
      %dma_wait3A_286 = tpu.memref_squeeze %dma_wait3A_285 : memref<1x16xf32, #tpu.memory_space<hbm>> -> memref<16xf32, #tpu.memory_space<hbm>>
      tpu.wait_dma2 semaphore(%run_scoped3A : memref<!tpu.dma_semaphore, #tpu.memory_space<semaphore_mem>>) src(%arg8 : memref<16xf32, #tpu.memory_space<vmem>>) dst(%dma_wait3A_286 : memref<16xf32, #tpu.memory_space<hbm>>)
      tpu.yield
    }) : () -> ()
    return
  }
}

</mosaic_0001>

<sc_bundles>
// kernel: kernel.3.cloned.1.call-start
scs
__scs_entry_jumppad:
0x0: {  	(pc) =	sbr.rel $0x88, $3  }
0x1: {  	(tag) =	ssettag $0x0;
	lr =	simm.s32 $0x1  }
0x2: {  	[smem:$0x3F9F] =	sst lr;
	_ =	strace $0xD0000000  }
0x3: {  	_ = 	snop  }
0x4: {  	_ = 	snop  }
0x5: {  	_ = 	snop  }
0x6: {  	_ = 	snop  }
0x7: {  	_ = 	snop  }
__scs_overlays_trampoline_lowered:
0x8: {  	[smem:$0x3FAE] =	sst s0  }
0x9: {  	[smem:$0x3FAF] =	sst s1  }
0xa: {  	[smem:$0x3FB0] =	sst s2  }
0xb: {  	[smem:$0x3FB1] =	sst s3  }
0xc: {  	[smem:$0x3FB2] =	sst s4  }
0xd: {  	[smem:$0x3FB3] =	sst s5  }
0xe: {  	[smem:$0x3FB4] =	sst s6  }
0xf: {  	[smem:$0x3FB5] =	sst s7  }
0x10: {  	[smem:$0x3FB6] =	sst s8  }
0x11: {  	[smem:$0x3FB7] =	sst s9;
	s0 =	simm.s32 @!p0 $0x0  }
0x12: {  	s1 =	sld [smem:$0x3F9D];
	s0 =	simm.s32 @p0 $0x1  }
0x13: {  	[smem:$0x3FB8] =	sst s0;
	s0 =	simm.s32 @!p1 $0x0  }
0x14: {  	s2 =	sld [smem:$0x3F9C];
	s0 =	simm.s32 @p1 $0x1  }
0x15: {  	[smem:$0x3FB9] =	sst s0;
	s0 =	simm.s32 @!p2 $0x0  }
0x16: {  	s3 =	sld [smem:$0x3FDB];
	s0 =	simm.s32 @p2 $0x1  }
0x17: {  	s4 =	simm.s32 $0x1BF5;
	[smem:$0x3FBB] =	sst s0  }
0x18: {  	s0 =	sld [smem:$0x3F9E];
	_ =	swait.ge [sflag:s4], $0x0  }
0x19: {  	s7 =	sld [smem:$0x3F9F]  }
0x1a: {  	s8 =	sadd.s32 $0xFFFFE003, lr  }
0x1b: {  	s9 =	sadd.s32 $0xFFFFFEF7, lr;
	s5 =	simm.s32 $0xFFFFFFFF;
	p2 =	slt.u32 s8, $0xFFFFF086  }
0x1c: {  	p1 =	slt.u32 s9, $0xF7A;
	s5 =	simm.s32 @!p2 $0x0  }
0x1d: {  	s5 =	simm.s32 @p1 $0x1;
	p0 =	seq.s32 s7, s2  }
0x1e: {  	s7 =	smul.u32 @!p0 $0xF7A, s2;
	p2 =	seq.s32 @!p0 s5, $0x0  }
0x1f: {  	s9 =	smul.u32 $0xF7A, s1;
	s8 =	simm.s32 @!p0 $0x1BF5;
	p2 =	por !p2, p0  }
0x20: {  	[sflag:s8] =	ssyncset.s32 @!p0 $0xFFFFF086;
	s6 =	sadd.s32 @!p0 s3, s7;
	s7 =	simm.s32 @!p0 $0x108  }
0x21: {  	s3 =	sadd.s32 s3, s9;
	s6 =	sadd.s32 @!p0 $0x88, s6;
	s7 =	simm.s32 @p2 $0x1082  }
0x22: {  	[simem:s7], [sflag:s8] =	dma.local @!p0 [hbm:s6], $0xF7A  }
0x23: {  	s9 =	sor.u32 $0xD0000000, s2;
	s6 =	simm.s32 $0x108;
	_ =	swait.ge @!p0 [sflag:s8], $0x0  }
0x24: {  	s3 =	sadd.s32 $0x88, s3;
	s6 =	simm.s32 @!p1 $0x1082;
	[sflag:s4] =	ssyncset.s32 $0xFFFFF086  }
0x25: {  	[simem:s6], [sflag:s4] =	dma.local [hbm:s3], $0xF7A  }
0x26: {  	[smem:$0x3F9F] =	sst s1;
	(tag) =	ssettag s2;
	_ =	strace s9  }
0x27: {  	s1 =	sld [smem:$0x3FAF]  }
0x28: {  	s2 =	sld [smem:$0x3FB0]  }
0x29: {  	s4 =	sld [smem:$0x3FB2]  }
0x2a: {  	p0 =	seq.s32 s5, $0x0;
	s5 =	sld [smem:$0x3FB3]  }
0x2b: {  	s6 =	sld [smem:$0x3FB4]  }
0x2c: {  	s7 =	sld [smem:$0x3FB5]  }
0x2d: {  	s3 =	simm.s32 $0x108;
	s8 =	sld [smem:$0x3FB6]  }
0x2e: {  	s3 =	simm.s32 @!p0 $0x1082;
	s9 =	sld [smem:$0x3FB7]  }
0x2f: {  	lr =	sadd.s32 s0, s3;
	s0 =	sld [smem:$0x3FAE]  }
0x30: {  	s3 =	sld [smem:$0x3FB1]  }
0x31: {  	[smem:$0x3FBA] =	sst s10  }
0x32: {  	s10 =	sld [smem:$0x3FB8];
	_ =	sdelay $0x3  }
0x33: {  	p0 =	seq.s32 s10, $0x1;
	s10 =	sld [smem:$0x3FBA];
	_ =	sdelay $0x3  }
0x34: {  	[smem:$0x3FBA] =	sst s10  }
0x35: {  	s10 =	sld [smem:$0x3FB9];
	_ =	sdelay $0x3  }
0x36: {  	p1 =	seq.s32 s10, $0x1;
	s10 =	sld [smem:$0x3FBA];
	_ =	sdelay $0x3  }
0x37: {  	[smem:$0x3FBA] =	sst s10  }
0x38: {  	s10 =	sld [smem:$0x3FBB]  }
0x39: {  	_ = 	snop;
	(pc) =	sbr.ind lr, $3  }
0x3a: {  	_ = 	snop  }
0x3b: {  	_ = 	snop  }
0x3c: {  	p2 =	seq.s32 s10, $0x1;
	s10 =	sld [smem:$0x3FBA]  }
0x3d: {  	_ =	shalt  }
0x3e: {  	_ =	shalt  }
0x3f: {  	_ =	shalt  }
0x40: {  	_ =	shalt  }
0x41: {  	_ =	shalt  }
0x42: {  	_ =	shalt  }
0x43: {  	_ =	shalt  }
0x44: {  	_ =	shalt  }
0x45: {  	_ =	shalt  }
0x46: {  	_ =	shalt  }
0x47: {  	_ =	shalt  }
0x48: {  	_ =	shalt  }
0x49: {  	_ =	shalt  }
0x4a: {  	_ =	shalt  }
0x4b: {  	_ =	shalt  }
0x4c: {  	_ =	shalt  }
0x4d: {  	_ =	shalt  }
0x4e: {  	_ =	shalt  }
0x4f: {  	_ =	shalt  }
0x50: {  	_ =	shalt  }
0x51: {  	_ =	shalt  }
0x52: {  	_ =	shalt  }
0x53: {  	_ =	shalt  }
0x54: {  	_ =	shalt  }
0x55: {  	_ =	shalt  }
0x56: {  	_ =	shalt  }
0x57: {  	_ =	shalt  }
0x58: {  	_ =	shalt  }
0x59: {  	_ =	shalt  }
0x5a: {  	_ =	shalt  }
0x5b: {  	_ =	shalt  }
0x5c: {  	_ =	shalt  }
0x5d: {  	_ =	shalt  }
0x5e: {  	_ =	shalt  }
0x5f: {  	_ =	shalt  }
0x60: {  	_ =	shalt  }
0x61: {  	_ =	shalt  }
0x62: {  	_ =	shalt  }
0x63: {  	_ =	shalt  }
0x64: {  	_ =	shalt  }
0x65: {  	_ =	shalt  }
0x66: {  	_ =	shalt  }
0x67: {  	_ =	shalt  }
0x68: {  	_ =	shalt  }
0x69: {  	_ =	shalt  }
0x6a: {  	_ =	shalt  }
0x6b: {  	_ =	shalt  }
0x6c: {  	_ =	shalt  }
0x6d: {  	_ =	shalt  }
0x6e: {  	_ =	shalt  }
0x6f: {  	_ =	shalt  }
0x70: {  	_ =	shalt  }
0x71: {  	_ =	shalt  }
0x72: {  	_ =	shalt  }
0x73: {  	_ =	shalt  }
0x74: {  	_ =	shalt  }
0x75: {  	_ =	shalt  }
0x76: {  	_ =	shalt  }
0x77: {  	_ =	shalt  }
0x78: {  	_ =	shalt  }
0x79: {  	_ =	shalt  }
0x7a: {  	_ =	shalt  }
0x7b: {  	_ =	shalt  }
0x7c: {  	_ =	shalt  }
0x7d: {  	_ =	shalt  }
0x7e: {  	_ =	shalt  }
0x7f: {  	_ =	shalt  }
0x80: {  	_ =	shalt  }
0x81: {  	_ =	shalt  }
0x82: {  	_ =	shalt  }
0x83: {  	_ =	shalt  }
0x84: {  	_ =	shalt  }
0x85: {  	_ =	shalt  }
0x86: {  	_ =	shalt  }
0x87: {  	_ =	shalt  }
.Lfunc_end0:
.L_simem_size_0:
called_computation_lowered:
.L_overlay_start_0:
0x88: {  	s2 =	sld [smem:$0x3FD9]  }
0x89: {  	s3 =	sld [smem:$0x3FFE];
	_ =	sdelay $0x1  }
0x8a: {  	s1 =	srdreg.scid  }
0x8b: {  	s0 =	sand.u32 $0x1, s1  }
0x8c: {  	s17 =	sshll.u32 s0, $0xA;
	s2 =	sadd.s32 s3, s2  }
0x8d: {  	s2 =	sadd.s32 s2, s17  }
0x8e: {  	[smem:$0x3FC6] =	sst s2  }
0x8f: {  	_ = 	snop  }
0x90: {  	s2 =	sld [smem:$0x3FD0];
	(tm) =	ssettm $0x1  }
0x91: {  	s18 =	sld [smem:$0x3FFB];
	_ =	sdelay $0x3  }
0x92: {  	_ =	strace s18  }
0x93: {  	s3 =	sld [smem:$0x3FFC];
	_ =	sdelay $0x3  }
0x94: {  	_ =	strace s3  }
0x95: {  	s3 =	sld [smem:$0x3FFD];
	_ =	sdelay $0x3  }
0x96: {  	_ =	strace s3  }
0x97: {  	_ =	strace $0x8FFFFFFF  }
0x98: {  	s19 =	sld [smem:$0x3FDB];
	_ =	sdelay $0x1  }
0x99: {  	s4 =	simm.s32 $_scs_section_size  }
0x9a: {  	s5 =	simm.s32 $_size__tile_overlayer_lowered;
	s6 =	simm.s32 $_tile_overlayer_lowered  }
0x9b: {  	s22 =	simm.s32 $0x1BFF;
	s21 =	sshll.u32 s6, $0x1;
	s3 =	sadd.s32 s4, s19  }
0x9c: {  	s7 =	simm.s32 $0x0;
	s20 =	sshll.u32 s5, $0x1;
	s5 =	sadd.s32 s21, s3  }
0x9d: {  	[timem:s7], [sflag:s22] =	dma.local [hbm:s5], s20  }
0x9e: {  	_ =	swait.ge [sflag:s22], s20  }
0x9f: {  	s4 =	ssub.s32 $0x0, s20;
	[sflag:s22] =	ssyncset.done $0x0  }
0xa0: {  	[sflag:s22] =	ssyncadd.s32 s4;
	_ =	sdelay $0x1  }
0xa1: {  	s23 =	simm.s32 $0x1B8B  }
0xa2: {  	_ =	swait.ge [sflag:s23], $0x1  }
0xa3: {  	[sflag:s23] =	ssyncset.done $0x0  }
0xa4: {  	s25 =	simm.s32 $0x1B8E;
	s24 =	sld [smem:$0x3FFE];
	[sflag:s23] =	ssyncadd.s32 $0xFFFFFFFF  }
0xa5: {  	s26 =	simm.s32 $execute0_lowered;
	[smem:$0x3FD2] =	sst s25  }
0xa6: {  	s5 =	sshll.u32 s26, $0x1;
	_ =	strace $0x80000046;
	[dreg:$0x1] =	wrdreg $0xFFFFFFFF  }
0xa7: {  	s28 =	simm.s32 $_size_execute0_lowered;
	s3 =	sadd.s32 s3, s5;
	[dreg:$0x0] =	wrdreg $0x0  }
0xa8: {  	s5 =	sshll.u32 s28, $0x1;
	[dreg:$0x2] =	wrdreg s3  }
0xa9: {  	[dreg:$0x3] =	wrdreg s5  }
0xaa: {  	[dreg:$0x4] =	wrdreg $0xC0  }
0xab: {  	_ =	task [dreg:s7], $0x5FFFF  }
0xac: {  	[dreg:$0x1] =	wrdreg $0xFFFFFFFF  }
0xad: {  	[dreg:$0x0] =	wrdreg $0x60  }
0xae: {  	[dreg:$0x2] =	wrdreg s24  }
0xaf: {  	[dreg:$0x3] =	wrdreg s2  }
0xb0: {  	[dreg:$0x4] =	wrdreg $0x9  }
0xb1: {  	_ =	task.clear_ibuf [dreg:s7], $0x5FFFF;
	_ =	strace $0x90000046  }
0xb2: {  	s29 =	simm.s32 $0x9;
	_ =	strace $0x80000048  }
0xb3: {  	_ =	swait.ge [sflag:s29], $0x1  }
0xb4: {  	[sflag:s29] =	ssyncadd.s32 $0xFFFFFFFF  }
0xb5: {  	_ =	strace $0x90000048  }
0xb6: {  	_ =	sfence  }
0xb7: {  	s30 =	sld [smem:$0x0];
	_ =	sdelay $0x2  }
0xb8: {  	s31 =	sshll.u32 s1, $0xD;
	s1 =	sshrl.u32 s1, $0x2  }
0xb9: {  	s3 =	sand.u32 $0x4000, s31;
	s1 =	sadd.s32 s1, s30  }
0xba: {  	s0 =	sor.u32 s3, s0;
	s1 =	sshll.u32 s1, $0x11  }
0xbb: {  	s0 =	sor.u32 s1, s0  }
0xbc: {  	s0 =	sadd.s32 $0x8F2B, s0  }
0xbd: {  	[sflag:s0] =	ssyncadd.remote.s32 $0x1  }
0xbe: {  	_ =	sfence.sel $0xFFFF  }
0xbf: {  	[dreg:$0x0] =	wrdreg $0xFFFFFFFF;
	(pc) =	sbr.abs _section_cstart, $3  }
0xc0: {  	[dreg:$0x1] =	wrdreg $0xFFFFFFFF  }
0xc1: {  	_ =	task.clear_ibuf [dreg:s7], $0x2FFFF;
	_ =	strace $0x9FFFFFFF  }
0xc2: {  	(tm) =	ssettm $0x7FFFFFFF  }
0xc3: {  	_ =	shalt  }
tec
execute0_lowered:
.L_overlay_start_1:
0x0: {  	(tag) =	ssettag $0x1  }
0x1: {  	s5 =	rddreg [dreg:$0x0]  }
0x2: {  	s2 =	rddreg [dreg:$0x1]  }
0x3: {  	s0 =	rddreg [dreg:$0x2];
	s4 =	srdreg.scid  }
0x4: {  	s3 =	simm.s32 $0x0;
	s1 =	stileid.u32;
	s10 =	simm.s32 $0x6400  }
0x5: {  	s11 =	simm.s32 $0x3;
	s12 =	simm.s32 $0x1;
	s13 =	simm.s32 $0x3200  }
0x6: {  	s14 =	simm.s32 $0x6480;
	s15 =	simm.s32 $0x2;
	s16 =	simm.s32 $0xA500  }
0x7: {  	s17 =	simm.s32 $0x0;
	s4 =	sand.u32 $0x1, s4;
	[smem:$0x7FF] =	sst s3  }
0x8: {  	s6 =	sshll.u32 s1, $0x8;
	s7 =	sshll.u32 s4, $0x7;
	s30 =	ssub.s32 $0x2, s4  }
0x9: {  	_ =	strace $0x80000047;
	s6 =	sor.u32 s7, s6;
	s9 =	sshrl.u32 s30, $0x1  }
0xa: {  	s8 =	sshrl.u32 s6, $0x3;
	s4 =	sadd.s32 s5, s6;
	s7 =	ssub.s32 s30, s9  }
0xb: {  	s9 =	simm.s32 $0x8000;
	s31 =	sadd.s32 s8, s5;
	s5 =	sadd.s32 $0x40, s4  }
0xc: {  	v0 =	vlaneseq.u32;
	s7 =	smax.u32 s7, $0x1;
	s8 =	simm.s32 $0x200;
	s6 =	sadd.s32 $0x19000, s31  }
.LBB2_1:
0xd: {  	[tilespmem:s3], [sflag:$0x1] =	stream.strided.gather [hbm4b:s4+s8], $0x3200, s9, s8, $0x38;
	[tilespmem:$0xA580] =	vst v63  }
0xe: {  	_ = 	snop  }
0xf: {  	[tilespmem:s10], [sflag:$0x3] =	stream.linear.gather [hbm4b:s2+s3], $0x80, $0x38;
	[tilespmem:$0xA580] =	vst v63  }
0x10: {  	_ =	swait.ge [sflag:s11], $0x80  }
0x11: {  	[sflag:s11] =	ssyncset.done $0x0  }
0x12: {  	[sflag:s11] =	ssyncadd.s32 $0xFFFFFF80  }
0x13: {  	v1 =	vld [tilespmem:$0x6400];
	_ =	sdelay $0x3  }
0x14: {  	v2 =	vld [tilespmem:$0x6404]  }
0x15: {  	(v2sf) =	vpush v1, $0x0  }
0x16: {  	(v2sf) =	vpush v1, $0x1  }
0x17: {  	(v2sf) =	vpush v1, $0x2  }
0x18: {  	(v2sf) =	vpush v1, $0x3;
	v1 =	vld [tilespmem:$0x6408]  }
0x19: {  	(v2sf) =	vpush v2, $0x0  }
0x1a: {  	(v2sf) =	vpush v2, $0x1  }
0x1b: {  	(v2sf) =	vpush v2, $0x2  }
0x1c: {  	(v2sf) =	vpush v2, $0x3;
	v2 =	vld [tilespmem:$0x640C]  }
0x1d: {  	(v2sf) =	vpush v1, $0x0  }
0x1e: {  	(v2sf) =	vpush v1, $0x1  }
0x1f: {  	(v2sf) =	vpush v1, $0x2  }
0x20: {  	(v2sf) =	vpush v1, $0x3;
	v1 =	vld [tilespmem:$0x6410]  }
0x21: {  	(v2sf) =	vpush v2, $0x0  }
0x22: {  	(v2sf) =	vpush v2, $0x1  }
0x23: {  	(v2sf) =	vpush v2, $0x2  }
0x24: {  	s18 =	spop (v2sf);
	(v2sf) =	vpush v2, $0x3  }
0x25: {  	s19 =	spop (v2sf);
	(v2sf) =	vpush v1, $0x0  }
0x26: {  	s20 =	spop (v2sf);
	(v2sf) =	vpush v1, $0x1  }
0x27: {  	s21 =	spop (v2sf)  }
0x28: {  	(v2sf) =	vpush v1, $0x2;
	s22 =	spop (v2sf)  }
0x29: {  	s18 =	sadd.f32 s19, s18;
	s23 =	spop (v2sf)  }
0x2a: {  	(v2sf) =	vpush v1, $0x3;
	s24 =	spop (v2sf)  }
0x2b: {  	s18 =	sadd.f32 s18, s20;
	s31 =	spop (v2sf)  }
0x2c: {  	s22 =	sadd.f32 s23, s22;
	s25 =	spop (v2sf)  }
0x2d: {  	s21 =	sadd.f32 s18, s21;
	s26 =	spop (v2sf)  }
0x2e: {  	s22 =	sadd.f32 s22, s24;
	s28 =	spop (v2sf)  }
0x2f: {  	s20 =	sadd.f32 s26, s25;
	s18 =	spop (v2sf)  }
0x30: {  	s22 =	sadd.f32 s22, s31;
	s29 =	spop (v2sf)  }
0x31: {  	s20 =	sadd.f32 s20, s28;
	s30 =	spop (v2sf)  }
0x32: {  	s31 =	spop (v2sf);
	s24 =	sadd.f32 s30, s29  }
0x33: {  	s20 =	sadd.f32 s20, s18;
	s26 =	spop (v2sf)  }
0x34: {  	s28 =	spop (v2sf);
	s19 =	sadd.f32 s24, s31  }
0x35: {  	s31 =	sadd.f32 s22, s21;
	s29 =	spop (v2sf)  }
0x36: {  	s18 =	sadd.f32 s29, s28  }
0x37: {  	s30 =	spop (v2sf);
	s23 =	sadd.f32 s19, s26  }
0x38: {  	s18 =	sadd.f32 s18, s30  }
0x39: {  	s29 =	spop (v2sf);
	s25 =	sadd.f32 s23, s20  }
0x3a: {  	s19 =	sadd.f32 s18, s29  }
0x3b: {  	s30 =	sadd.f32 s25, s31  }
0x3c: {  	s26 =	sadd.f32 s21, s21  }
0x3d: {  	s18 =	sadd.f32 s30, s19  }
0x3e: {  	s28 =	sadd.f32 s20, s21  }
0x3f: {  	s29 =	sadd.f32 s23, s21;
	s18 =	smul.f32 $4.000000060e-01, s18  }
0x40: {  	s21 =	sadd.f32 s19, s21  }
0x41: {  	s26 =	ssub.f32 s26, s18  }
0x42: {  	s24 =	ssub.f32 s31, s18  }
0x43: {  	s29 =	ssub.f32 s29, s18;
	v1 =	vmov s26  }
0x44: {  	s21 =	ssub.f32 s21, s18;
	v2 =	vmov s24;
	[tilespmem:$0x6480] =	vst v1  }
0x45: {  	s30 =	sadd.f32 s22, s22;
	v3 =	vmov s29;
	[tilespmem:$0x6490] =	vst v2  }
0x46: {  	s28 =	ssub.f32 s28, s18;
	v4 =	vmov s21;
	[tilespmem:$0x64B0] =	vst v3  }
0x47: {  	s31 =	sadd.f32 s20, s22;
	[tilespmem:$0x64C0] =	vst v4  }
0x48: {  	s24 =	ssub.f32 s30, s18;
	[tilespmem:$0x7480] =	vst v2  }
0x49: {  	s26 =	ssub.f32 s31, s18;
	[tilespmem:$0x9480] =	vst v3  }
0x4a: {  	s31 =	sadd.f32 s23, s22;
	v1 =	vmov s28;
	[tilespmem:$0xA480] =	vst v4  }
0x4b: {  	s29 =	sadd.f32 s19, s22;
	[tilespmem:$0x64A0] =	vst v1  }
0x4c: {  	s30 =	ssub.f32 s31, s18;
	v2 =	vmov s24;
	[tilespmem:$0x8480] =	vst v1  }
0x4d: {  	s21 =	ssub.f32 s29, s18;
	[tilespmem:$0x7490] =	vst v2;
	v2 =	vmov s26  }
0x4e: {  	s31 =	sadd.f32 s20, s20;
	[tilespmem:$0x74A0] =	vst v2  }
0x4f: {  	s20 =	sadd.f32 s19, s20;
	v5 =	vmov s30;
	[tilespmem:$0x8490] =	vst v2  }
0x50: {  	s24 =	ssub.f32 s25, s18;
	v6 =	vmov s21;
	[tilespmem:$0x74B0] =	vst v5  }
0x51: {  	s22 =	ssub.f32 s31, s18;
	[tilespmem:$0x74C0] =	vst v6  }
0x52: {  	s20 =	ssub.f32 s20, s18;
	[tilespmem:$0x9490] =	vst v5  }
0x53: {  	s25 =	sadd.f32 s23, s23;
	[tilespmem:$0xA490] =	vst v6;
	v1 =	vmov s22  }
0x54: {  	s26 =	sadd.f32 s19, s23;
	v2 =	vmov s20;
	[tilespmem:$0x84A0] =	vst v1  }
0x55: {  	s19 =	sadd.f32 s19, s19;
	[tilespmem:$0x84C0] =	vst v2  }
0x56: {  	s20 =	ssub.f32 s25, s18;
	v1 =	vmov s24;
	[tilespmem:$0xA4A0] =	vst v2  }
0x57: {  	s21 =	ssub.f32 s26, s18;
	[tilespmem:$0x84B0] =	vst v1  }
0x58: {  	[tilespmem:$0x94A0] =	vst v1;
	v1 =	vmov s20  }
0x59: {  	s19 =	ssub.f32 s19, s18;
	[tilespmem:$0x94B0] =	vst v1;
	v1 =	vmov s21  }
0x5a: {  	[tilespmem:$0x94C0] =	vst v1  }
0x5b: {  	[tilespmem:$0xA4B0] =	vst v1;
	v1 =	vmov s19  }
0x5c: {  	[tilespmem:$0xA4C0] =	vst v1  }
0x5d: {  	s28 =	sand.u32 $0xF800, s3;
	s29 =	sand.u32 $0x200, s3;
	_ =	swait.ge [sflag:s12], $0x3200  }
0x5e: {  	s19 =	sor.u32 s29, s28;
	[sflag:s12] =	ssyncset.done $0x0  }
0x5f: {  	s19 =	sshrl.u32 s19, $0x2;
	[sflag:s12] =	ssyncadd.s32 $0xFFFFCE00  }
0x60: {  	[tilespmem:s13], [sflag:$0x2] =	stream.strided.gather [hbm4b:s5+s8], $0x3200, s9, s8, $0x38;
	[tilespmem:$0xA580] =	vst v63  }
0x61: {  	v4 =	vld [tilespmem:s19+$0x40]  }
0x62: {  	v1 =	vld [tilespmem:s19+$0x0]  }
0x63: {  	v5 =	vld [tilespmem:s19+$0x40]  }
0x64: {  	v9 =	vld [tilespmem:s19+$0x100]  }
0x65: {  	v11 =	vld [tilespmem:s19+$0x0]  }
0x66: {  	v6 =	vld [tilespmem:s19+$0x140]  }
0x67: {  	s30 =	simm.s32 $0x100;
	s31 =	simm.s32 $0x200;
	v7 =	vld [tilespmem:s19+$0x100]  }
0x68: {  	s20 =	sand.u32 $0xF800, s31;
	v12 =	vld [tilespmem:s19+$0x140];
	s19 =	sand.u32 $0x200, s30;
	v2 =	vshra.s32 v4, $0xC  }
0x69: {  	s19 =	sor.u32 s19, s20;
	v3 =	vshra.s32 v1, $0xC;
	v1 =	vshll.u32 v1, $0x4;
	v4 =	vshll.u32 v4, $0x4  }
0x6a: {  	s19 =	sshrl.u32 s19, $0x2;
	v15 =	vshll.u32 v9, $0x4;
	v16 =	vshll.u32 v11, $0x4;
	v2 =	vand.u32 $0xFFFFFFF0, v2  }
0x6b: {  	v20 =	vld [tilespmem:s19+$0x40];
	v11 =	vshra.s32 v11, $0xC;
	v9 =	vshra.s32 v9, $0xC;
	v2 =	vor.u32 v0, v2  }
0x6c: {  	v17 =	vld [tilespmem:s19+$0x100];
	v3 =	vand.u32 $0xFFFFFFF0, v3;
	v1 =	vor.u32 v0, v1;
	v4 =	vor.u32 v0, v4  }
0x6d: {  	v21 =	vld [tilespmem:s19+$0x0];
	v15 =	vor.u32 v0, v15;
	v11 =	vand.u32 $0xFFFFFFF0, v11;
	v10 =	vand.u32 $0xFFFFF, v1  }
0x6e: {  	v27 =	vld [tilespmem:s19+$0x140];
	v8 =	vor.u32 v0, v3;
	v1 =	vshll.u32 v5, $0x4;
	v34 =	vand.u32 $0xFFFFF, v4  }
0x6f: {  	v22 =	vld [tilespmem:s19+$0x0];
	v4 =	vor.u32 v0, v16;
	v11 =	vor.u32 v0, v11;
	v1 =	vor.u32 v0, v1  }
0x70: {  	v25 =	vand.u32 $0xFFFFF, v15;
	v13 =	vand.u32 $0xFFFFF, v1;
	v1 =	vld.idx.msk [tilespmem:v2+s14+$0x0], $0xffff;
	v2 =	vshra.s32 v6, $0xC  }
0x71: {  	v5 =	vshra.s32 v5, $0xC;
	v16 =	vld [tilespmem:s19+$0x100];
	v6 =	vshll.u32 v6, $0x4;
	v14 =	vand.u32 $0xFFFFFFF0, v2  }
0x72: {  	v23 =	vld.idx.msk [tilespmem:v10+s14+$0x0], $0xffff;
	v10 =	vshra.s32 v12, $0xC;
	v6 =	vor.u32 v0, v6;
	v14 =	vor.u32 v0, v14  }
0x73: {  	v15 =	vand.u32 $0xFFFFFFF0, v5;
	v5 =	vld [tilespmem:s19+$0x40];
	v10 =	vand.u32 $0xFFFFFFF0, v10;
	v6 =	vand.u32 $0xFFFFF, v6  }
0x74: {  	v9 =	vand.u32 $0xFFFFFFF0, v9;
	v18 =	vld.idx.msk [tilespmem:v11+s14+$0x0], $0xffff;
	v10 =	vor.u32 v0, v10  }
0x75: {  	v3 =	vimm.f32 $0.0e+00;
	v9 =	vor.u32 v0, v9;
	v4 =	vand.u32 $0xFFFFF, v4;
	v2 =	vld.idx.msk [tilespmem:v8+s14+$0x0], $0xffff  }
0x76: {  	v35 =	vshra.s32 v17, $0xC;
	v32 =	vshll.u32 v22, $0x4;
	v8 =	vshll.u32 v7, $0x4;
	v13 =	vld.idx.msk [tilespmem:v13+s14+$0x0], $0xffff  }
0x77: {  	v33 =	vshra.s32 v27, $0xC;
	v7 =	vshra.s32 v7, $0xC;
	v8 =	vor.u32 v0, v8;
	v14 =	vld.idx.msk [tilespmem:v14+s14+$0x0], $0xffff  }
0x78: {  	v19 =	vor.u32 v0, v15;
	v7 =	vand.u32 $0xFFFFFFF0, v7;
	v8 =	vand.u32 $0xFFFFF, v8;
	v6 =	vld.idx.msk [tilespmem:v6+s14+$0x0], $0xffff  }
0x79: {  	v11 =	vshra.s32 v21, $0xC;
	v7 =	vor.u32 v0, v7;
	v26 =	vld.idx.msk [tilespmem:v10+s14+$0x0], $0xffff;
	v10 =	vshll.u32 v12, $0x4  }
0x7a: {  	v30 =	vshll.u32 v16, $0x4;
	v12 =	vshra.s32 v20, $0xC;
	v10 =	vor.u32 v0, v10  }
0x7b: {  	v29 =	vld.idx.msk [tilespmem:v4+s14+$0x0], $0xffff;
	v4 =	vadd.f32 v13, v3;
	v12 =	vand.u32 $0xFFFFFFF0, v12;
	v31 =	vand.u32 $0xFFFFF, v10  }
0x7c: {  	v10 =	vld [tilespmem:s19+$0x140];
	v12 =	vor.u32 v0, v12;
	v13 =	vadd.f32 v14, v3;
	v14 =	vshll.u32 v17, $0x4  }
0x7d: {  	v15 =	vadd.f32 v6, v3;
	v6 =	vshll.u32 v5, $0x4;
	v17 =	vld.idx.msk [tilespmem:v8+s14+$0x0], $0xffff;
	v8 =	vand.u32 $0xFFFFFFF0, v11  }
0x7e: {  	v11 =	vld.idx.msk [tilespmem:v7+s14+$0x0], $0xffff;
	v7 =	vshll.u32 v20, $0x4;
	v6 =	vor.u32 v0, v6;
	v28 =	vor.u32 v0, v8  }
0x7f: {  	v20 =	vld.idx.msk [tilespmem:v9+s14+$0x0], $0xffff;
	v7 =	vor.u32 v0, v7;
	v24 =	vand.u32 $0xFFFFF, v6;
	v6 =	vshll.u32 v21, $0x4  }
0x80: {  	v8 =	vadd.f32 v26, v13;
	v21 =	vld.idx.msk [tilespmem:v25+s14+$0x0], $0xffff;
	v13 =	vadd.f32 v29, v3;
	v6 =	vor.u32 v0, v6  }
0x81: {  	v9 =	vand.u32 $0xFFFFF, v7;
	v25 =	vld.idx.msk [tilespmem:v31+s14+$0x0], $0xffff;
	v31 =	vshll.u32 v27, $0x4;
	v29 =	vand.u32 $0xFFFFF, v6  }
0x82: {  	v26 =	vor.u32 v0, v14;
	v7 =	vld.idx.msk [tilespmem:v12+s14+$0x0], $0xffff;
	v27 =	vand.u32 $0xFFFFFFF0, v35;
	v14 =	vimm.f32 $0.0e+00  }
0x83: {  	s21 =	simm.s32 $0x400;
	s20 =	simm.s32 $0x200;
	s19 =	simm.s32 $0x2;
	v12 =	vimm.f32 $0.0e+00;
	v6 =	vadd.f32 v23, v13;
	v23 =	vld.idx.msk [tilespmem:v34+s14+$0x0], $0xffff;
	v13 =	vimm.f32 $0.0e+00  }
.LBB2_2:
0x84: {  	s19 =	sadd.s32 $0x2, s19;
	s22 =	sand.u32 $0xF800, s21;
	s23 =	sand.u32 $0x200, s20;
	v32 =	vor.u32 v0, v32;
	v30 =	vor.u32 v0, v30;
	v33 =	vand.u32 $0xFFFFFFF0, v33;
	v19 =	vld.idx.msk [tilespmem:v19+s14+$0x0], $0xffff  }
0x85: {  	v22 =	vshra.s32 v22, $0xC;
	v3 =	vadd.f32 v18, v3;
	s22 =	sor.u32 s23, s22;
	p0 =	slt.u32 s19, $0xC6;
	v33 =	vor.u32 v0, v33;
	v28 =	vld.idx.msk [tilespmem:v28+s14+$0x0], $0xffff  }
0x86: {  	v18 =	vor.u32 v0, v31;
	v14 =	vadd.f32 v21, v14;
	s22 =	sshrl.u32 s22, $0x2;
	v34 =	vld.idx.msk [tilespmem:v29+s14+$0x0], $0xffff;
	v29 =	vshra.s32 v10, $0xC  }
0x87: {  	v18 =	vand.u32 $0xFFFFF, v18;
	v15 =	vadd.f32 v25, v15;
	v21 =	vld [tilespmem:s22+$0x40];
	v29 =	vand.u32 $0xFFFFFFF0, v29  }
0x88: {  	v22 =	vand.u32 $0xFFFFFFF0, v22;
	v3 =	vadd.f32 v2, v3;
	v25 =	vld [tilespmem:s22+$0x100];
	v29 =	vor.u32 v0, v29  }
0x89: {  	v30 =	vand.u32 $0xFFFFF, v30;
	v13 =	vadd.f32 v20, v13;
	v14 =	vadd.f32 v17, v14;
	v24 =	vld.idx.msk [tilespmem:v24+s14+$0x0], $0xffff  }
0x8a: {  	v5 =	vshra.s32 v5, $0xC;
	v16 =	vshra.s32 v16, $0xC;
	v12 =	vadd.f32 v19, v12;
	v20 =	vld [tilespmem:s22+$0x0]  }
0x8b: {  	v27 =	vor.u32 v0, v27;
	v17 =	vand.u32 $0xFFFFF, v32;
	v4 =	vadd.f32 v23, v4;
	v2 =	vmovc v28;
	v31 =	vld.idx.msk [tilespmem:v33+s14+$0x0], $0xffff  }
0x8c: {  	v5 =	vand.u32 $0xFFFFFFF0, v5;
	v16 =	vand.u32 $0xFFFFFFF0, v16;
	v13 =	vadd.f32 v11, v13;
	v23 =	vld [tilespmem:s22+$0x140]  }
0x8d: {  	v32 =	vor.u32 v0, v16;
	v19 =	vor.u32 v0, v5;
	v12 =	vadd.f32 v1, v12;
	v11 =	vld.idx.msk [tilespmem:v18+s14+$0x0], $0xffff  }
0x8e: {  	v1 =	vmov v7;
	v18 =	vor.u32 v0, v22;
	v5 =	vld [tilespmem:s22+$0x40]  }
0x8f: {  	v7 =	vld.idx.msk [tilespmem:v29+s14+$0x0], $0xffff  }
0x90: {  	v29 =	vld.idx.msk [tilespmem:v17+s14+$0x0], $0xffff;
	v17 =	vand.u32 $0xFFFFF, v26  }
0x91: {  	v10 =	vshll.u32 v10, $0x4;
	v4 =	vadd.f32 v24, v4;
	v16 =	vld [tilespmem:s22+$0x100]  }
0x92: {  	v24 =	vshra.s32 v21, $0xC;
	v8 =	vadd.f32 v31, v8;
	v26 =	vor.u32 v0, v10;
	v22 =	vld [tilespmem:s22+$0x0]  }
0x93: {  	v33 =	vshll.u32 v25, $0x4;
	v24 =	vand.u32 $0xFFFFFFF0, v24;
	v15 =	vadd.f32 v11, v15;
	v18 =	vld.idx.msk [tilespmem:v18+s14+$0x0], $0xffff  }
0x94: {  	v35 =	vshra.s32 v25, $0xC;
	v25 =	vand.u32 $0xFFFFF, v26;
	v11 =	vshll.u32 v5, $0x4;
	v10 =	vld [tilespmem:s22+$0x140]  }
0x95: {  	v36 =	vor.u32 v0, v24;
	v26 =	vshra.s32 v20, $0xC;
	v11 =	vor.u32 v0, v11;
	v17 =	vld.idx.msk [tilespmem:v17+s14+$0x0], $0xffff  }
0x96: {  	v20 =	vshll.u32 v20, $0x4;
	v26 =	vand.u32 $0xFFFFFFF0, v26;
	v24 =	vand.u32 $0xFFFFF, v11;
	v11 =	vld.idx.msk [tilespmem:v27+s14+$0x0], $0xffff  }
.Ltmp0:
0x97: {  	v28 =	vor.u32 v0, v26;
	v26 =	vshll.u32 v21, $0x4;
	v8 =	vadd.f32 v7, v8;
	v21 =	vld.idx.msk [tilespmem:v30+s14+$0x0], $0xffff;
	(pc) =	sbr.rel @p0 .LBB2_2-.Ltmp0, $4  }
0x98: {  	v7 =	vor.u32 v0, v20;
	v26 =	vor.u32 v0, v26;
	v6 =	vadd.f32 v29, v6;
	v20 =	vld.idx.msk [tilespmem:v32+s14+$0x0], $0xffff  }
0x99: {  	v29 =	vand.u32 $0xFFFFF, v7;
	v37 =	vand.u32 $0xFFFFF, v26;
	v30 =	vshll.u32 v16, $0x4;
	v25 =	vld.idx.msk [tilespmem:v25+s14+$0x0], $0xffff  }
0x9a: {  	v31 =	vshll.u32 v23, $0x4;
	v26 =	vor.u32 v0, v33;
	v32 =	vshll.u32 v22, $0x4;
	v7 =	vld.idx.msk [tilespmem:v36+s14+$0x0], $0xffff  }
0x9b: {  	s20 =	sadd.s32 $0x100, s20;
	s21 =	sadd.s32 $0x200, s21;
	v33 =	vshra.s32 v23, $0xC;
	v27 =	vand.u32 $0xFFFFFFF0, v35;
	v6 =	vadd.f32 v34, v6;
	v23 =	vld.idx.msk [tilespmem:v9+s14+$0x0], $0xffff;
	v9 =	vmovc v37  }
0x9c: {  	_ =	sdelay $0x3  }
0x9d: {  	v19 =	vld.idx.msk [tilespmem:v19+s14+$0x0], $0xffff;
	v26 =	vand.u32 $0xFFFFF, v26  }
0x9e: {  	v33 =	vand.u32 $0xFFFFFFF0, v33;
	v28 =	vld.idx.msk [tilespmem:v28+s14+$0x0], $0xffff;
	v27 =	vor.u32 v0, v27  }
0x9f: {  	v31 =	vor.u32 v0, v31;
	v29 =	vld.idx.msk [tilespmem:v29+s14+$0x0], $0xffff;
	v33 =	vor.u32 v0, v33  }
0xa0: {  	v32 =	vor.u32 v0, v32;
	v24 =	vld.idx.msk [tilespmem:v24+s14+$0x0], $0xffff;
	v31 =	vand.u32 $0xFFFFF, v31  }
0xa1: {  	v34 =	vshra.s32 v10, $0xC;
	v30 =	vor.u32 v0, v30;
	v9 =	vld.idx.msk [tilespmem:v9+s14+$0x0], $0xffff;
	v32 =	vand.u32 $0xFFFFF, v32  }
0xa2: {  	v22 =	vshra.s32 v22, $0xC;
	v34 =	vand.u32 $0xFFFFFFF0, v34;
	v30 =	vand.u32 $0xFFFFF, v30;
	v26 =	vld.idx.msk [tilespmem:v26+s14+$0x0], $0xffff  }
0xa3: {  	v16 =	vshra.s32 v16, $0xC;
	v22 =	vand.u32 $0xFFFFFFF0, v22;
	v34 =	vor.u32 v0, v34;
	v27 =	vld.idx.msk [tilespmem:v27+s14+$0x0], $0xffff  }
0xa4: {  	v10 =	vshll.u32 v10, $0x4;
	v16 =	vand.u32 $0xFFFFFFF0, v16;
	v22 =	vor.u32 v0, v22;
	v33 =	vld.idx.msk [tilespmem:v33+s14+$0x0], $0xffff  }
0xa5: {  	v5 =	vshra.s32 v5, $0xC;
	v10 =	vor.u32 v0, v10;
	v16 =	vor.u32 v0, v16;
	v31 =	vld.idx.msk [tilespmem:v31+s14+$0x0], $0xffff  }
0xa6: {  	v5 =	vand.u32 $0xFFFFFFF0, v5;
	v10 =	vand.u32 $0xFFFFF, v10;
	v32 =	vld.idx.msk [tilespmem:v32+s14+$0x0], $0xffff  }
0xa7: {  	v5 =	vor.u32 v0, v5;
	v30 =	vld.idx.msk [tilespmem:v30+s14+$0x0], $0xffff  }
0xa8: {  	v34 =	vld.idx.msk [tilespmem:v34+s14+$0x0], $0xffff  }
0xa9: {  	v22 =	vld.idx.msk [tilespmem:v22+s14+$0x0], $0xffff  }
0xaa: {  	v16 =	vld.idx.msk [tilespmem:v16+s14+$0x0], $0xffff  }
0xab: {  	s19 =	simm.s32 $0x0;
	v3 =	vadd.f32 v18, v3;
	v14 =	vadd.f32 v21, v14;
	v10 =	vld.idx.msk [tilespmem:v10+s14+$0x0], $0xffff  }
0xac: {  	s20 =	sand.u32 $0xF800, s19;
	s19 =	sand.u32 $0x200, s19;
	v13 =	vadd.f32 v20, v13;
	v15 =	vadd.f32 v25, v15;
	v5 =	vld.idx.msk [tilespmem:v5+s14+$0x0], $0xffff;
	_ =	swait.ge [sflag:s15], $0x3200  }
0xad: {  	s19 =	sor.u32 s19, s20;
	v2 =	vadd.f32 v2, v3;
	v4 =	vadd.f32 v23, v4;
	[sflag:s15] =	ssyncset.done $0x0  }
0xae: {  	v14 =	vadd.f32 v17, v14;
	s19 =	sshrl.u32 s19, $0x2;
	v12 =	vadd.f32 v19, v12;
	[sflag:s15] =	ssyncadd.s32 $0xFFFFCE00  }
0xaf: {  	v11 =	vadd.f32 v11, v13;
	v13 =	vadd.f32 v24, v4;
	v3 =	vld [tilespmem:s19+$0x3200]  }
0xb0: {  	v12 =	vadd.f32 v1, v12;
	v18 =	vld [tilespmem:s19+$0x3240];
	v1 =	vadd.f32 v33, v8  }
0xb1: {  	v19 =	vld [tilespmem:s19+$0x3340];
	v15 =	vadd.f32 v31, v15;
	v6 =	vadd.f32 v32, v6  }
0xb2: {  	v8 =	vld [tilespmem:s19+$0x3240];
	v5 =	vadd.f32 v5, v12;
	v21 =	vadd.f32 v34, v1  }
0xb3: {  	v20 =	vld [tilespmem:s19+$0x3300];
	v1 =	vadd.f32 v22, v2;
	v25 =	vadd.f32 v29, v6  }
0xb4: {  	v24 =	vld [tilespmem:s19+$0x3340];
	v15 =	vadd.f32 v10, v15;
	v17 =	vshra.s32 v3, $0xC;
	v3 =	vshll.u32 v3, $0x4  }
0xb5: {  	s30 =	simm.s32 $0x100;
	s31 =	simm.s32 $0x200;
	v22 =	vld [tilespmem:s19+$0x3300];
	v5 =	vadd.f32 v7, v5;
	v4 =	vshra.s32 v18, $0xC;
	v3 =	vor.u32 v0, v3  }
0xb6: {  	s20 =	sand.u32 $0xF800, s31;
	v4 =	vand.u32 $0xFFFFFFF0, v4;
	v23 =	vand.u32 $0xFFFFF, v3;
	v3 =	vadd.f32 v30, v14;
	v14 =	vld [tilespmem:s19+$0x3200];
	s19 =	sand.u32 $0x200, s30  }
0xb7: {  	v2 =	vadd.f32 v28, v1;
	v6 =	vshll.u32 v8, $0x4;
	v4 =	vor.u32 v0, v4;
	s19 =	sor.u32 s19, s20  }
0xb8: {  	v17 =	vand.u32 $0xFFFFFFF0, v17;
	v1 =	vor.u32 v0, v6;
	v6 =	vadd.f32 v16, v11;
	s19 =	sshrl.u32 s19, $0x2  }
0xb9: {  	v12 =	vshll.u32 v19, $0x4;
	v17 =	vor.u32 v0, v17;
	v3 =	vadd.f32 v26, v3;
	v26 =	vld [tilespmem:s19+$0x3300]  }
0xba: {  	v7 =	vor.u32 v0, v12;
	v10 =	vand.u32 $0xFFFFF, v1;
	v6 =	vadd.f32 v27, v6;
	v27 =	vld [tilespmem:s19+$0x3200]  }
0xbb: {  	v16 =	vshra.s32 v24, $0xC;
	v7 =	vand.u32 $0xFFFFF, v7;
	v62 =	vld [tilespmem:s19+$0x3340]  }
0xbc: {  	v9 =	vadd.f32 v9, v13;
	v16 =	vand.u32 $0xFFFFFFF0, v16;
	v1 =	vld.idx.msk [tilespmem:v4+s14+$0x0], $0xffff  }
0xbd: {  	v12 =	vshll.u32 v20, $0x4;
	v16 =	vor.u32 v0, v16;
	v4 =	vshra.s32 v19, $0xC;
	v13 =	vld.idx.msk [tilespmem:v23+s14+$0x0], $0xffff  }
0xbe: {  	v12 =	vor.u32 v0, v12;
	v19 =	vshll.u32 v14, $0x4;
	v11 =	vand.u32 $0xFFFFFFF0, v4;
	v4 =	vld.idx.msk [tilespmem:v17+s14+$0x0], $0xffff  }
0xbf: {  	v17 =	vshra.s32 v20, $0xC;
	v20 =	vld.idx.msk [tilespmem:v10+s14+$0x0], $0xffff;
	v10 =	vshll.u32 v18, $0x4;
	v11 =	vor.u32 v0, v11  }
0xc0: {  	v29 =	vld.idx.msk [tilespmem:v7+s14+$0x0], $0xffff;
	v7 =	vshra.s32 v8, $0xC;
	v18 =	vor.u32 v0, v19;
	v10 =	vor.u32 v0, v10  }
0xc1: {  	v23 =	vld [tilespmem:s19+$0x3240];
	v28 =	vand.u32 $0xFFFFF, v18;
	v61 =	vand.u32 $0xFFFFF, v10;
	v10 =	vshra.s32 v14, $0xC  }
0xc2: {  	v19 =	vshll.u32 v22, $0x4;
	v7 =	vand.u32 $0xFFFFFFF0, v7;
	v31 =	vld.idx.msk [tilespmem:v16+s14+$0x0], $0xffff;
	v18 =	vand.u32 $0xFFFFFFF0, v10  }
0xc3: {  	v14 =	vand.u32 $0xFFFFFFF0, v17;
	v17 =	vor.u32 v0, v19;
	v10 =	vld [tilespmem:s19+$0x3240];
	v8 =	vor.u32 v0, v18  }
0xc4: {  	v30 =	vand.u32 $0xFFFFF, v17;
	v17 =	vshra.s32 v22, $0xC;
	v22 =	vand.u32 $0xFFFFF, v12;
	v11 =	vld.idx.msk [tilespmem:v11+s14+$0x0], $0xffff  }
0xc5: {  	v36 =	vshll.u32 v26, $0x4;
	v14 =	vor.u32 v0, v14;
	v12 =	vld [tilespmem:s19+$0x3300];
	v16 =	vand.u32 $0xFFFFFFF0, v17  }
0xc6: {  	v26 =	vshra.s32 v26, $0xC;
	v35 =	vor.u32 v0, v16;
	v16 =	vshra.s32 v23, $0xC;
	v63 =	vld.idx.msk [tilespmem:v28+s14+$0x0], $0xffff  }
0xc7: {  	v18 =	vor.u32 v0, v7;
	v7 =	vadd.f32 v20, v9;
	v20 =	vld [tilespmem:s19+$0x3200];
	v16 =	vand.u32 $0xFFFFFFF0, v16  }
0xc8: {  	v9 =	vshll.u32 v24, $0x4;
	v37 =	vor.u32 v0, v16;
	v19 =	vld.idx.msk [tilespmem:v8+s14+$0x0], $0xffff;
	v8 =	vshll.u32 v10, $0x4  }
0xc9: {  	v16 =	vld.idx.msk [tilespmem:v22+s14+$0x0], $0xffff;
	v8 =	vor.u32 v0, v8;
	v11 =	vadd.f32 v11, v21;
	v21 =	vor.u32 v0, v9  }
0xca: {  	v17 =	vadd.f32 v29, v15;
	v14 =	vld.idx.msk [tilespmem:v14+s14+$0x0], $0xffff;
	v22 =	vand.u32 $0xFFFFF, v8;
	v15 =	vand.u32 $0xFFFFF, v21  }
0xcb: {  	v24 =	vld.idx.msk [tilespmem:v30+s14+$0x0], $0xffff;
	v8 =	vshll.u32 v27, $0x4;
	v25 =	vadd.f32 v63, v25;
	v21 =	vshra.s32 v27, $0xC  }
0xcc: {  	v33 =	vshra.s32 v62, $0xC;
	v9 =	vld [tilespmem:s19+$0x3340];
	v8 =	vor.u32 v0, v8;
	v21 =	vand.u32 $0xFFFFFFF0, v21  }
0xcd: {  	v13 =	vadd.f32 v13, v25;
	v25 =	vld.idx.msk [tilespmem:v61+s14+$0x0], $0xffff;
	v28 =	vor.u32 v0, v21;
	v21 =	vshll.u32 v23, $0x4  }
0xce: {  	v26 =	vand.u32 $0xFFFFFFF0, v26;
	v29 =	vand.u32 $0xFFFFF, v8;
	v23 =	vor.u32 v0, v21;
	v21 =	vld.idx.msk [tilespmem:v35+s14+$0x0], $0xffff  }
0xcf: {  	v30 =	vshll.u32 v12, $0x4;
	v32 =	vshll.u32 v20, $0x4;
	v11 =	vadd.f32 v31, v11;
	v27 =	vld.idx.msk [tilespmem:v15+s14+$0x0], $0xffff  }
0xd0: {  	s21 =	simm.s32 $0x400;
	s20 =	simm.s32 $0x200;
	s19 =	simm.s32 $0x2;
	v31 =	vshll.u32 v62, $0x4;
	v8 =	vand.u32 $0xFFFFF, v23;
	v23 =	vor.u32 v0, v36;
	v15 =	vld.idx.msk [tilespmem:v37+s14+$0x0], $0xffff  }
.LBB2_4:
0xd1: {  	s19 =	sadd.s32 $0x2, s19;
	s22 =	sand.u32 $0xF800, s21;
	s23 =	sand.u32 $0x200, s20;
	v32 =	vor.u32 v0, v32;
	v30 =	vor.u32 v0, v30;
	v33 =	vand.u32 $0xFFFFFFF0, v33;
	v18 =	vld.idx.msk [tilespmem:v18+s14+$0x0], $0xffff  }
0xd2: {  	v20 =	vshra.s32 v20, $0xC;
	v2 =	vadd.f32 v19, v2;
	s22 =	sor.u32 s23, s22;
	p0 =	slt.u32 s19, $0xC6;
	v33 =	vor.u32 v0, v33;
	v28 =	vld.idx.msk [tilespmem:v28+s14+$0x0], $0xffff  }
0xd3: {  	v19 =	vor.u32 v0, v31;
	v3 =	vadd.f32 v24, v3;
	s22 =	sshrl.u32 s22, $0x2;
	v34 =	vld.idx.msk [tilespmem:v29+s14+$0x0], $0xffff;
	v29 =	vshra.s32 v9, $0xC  }
0xd4: {  	v19 =	vand.u32 $0xFFFFF, v19;
	v17 =	vadd.f32 v27, v17;
	v24 =	vld [tilespmem:s22+$0x3240];
	v29 =	vand.u32 $0xFFFFFFF0, v29  }
0xd5: {  	v20 =	vand.u32 $0xFFFFFFF0, v20;
	v2 =	vadd.f32 v4, v2;
	v27 =	vld [tilespmem:s22+$0x3300];
	v29 =	vor.u32 v0, v29  }
0xd6: {  	v30 =	vand.u32 $0xFFFFF, v30;
	v6 =	vadd.f32 v21, v6;
	v3 =	vadd.f32 v16, v3;
	v22 =	vld.idx.msk [tilespmem:v22+s14+$0x0], $0xffff  }
0xd7: {  	v10 =	vshra.s32 v10, $0xC;
	v12 =	vshra.s32 v12, $0xC;
	v5 =	vadd.f32 v18, v5;
	v21 =	vld [tilespmem:s22+$0x3200]  }
0xd8: {  	v26 =	vor.u32 v0, v26;
	v16 =	vand.u32 $0xFFFFF, v32;
	v7 =	vadd.f32 v25, v7;
	v4 =	vmovc v28;
	v31 =	vld.idx.msk [tilespmem:v33+s14+$0x0], $0xffff  }
0xd9: {  	v10 =	vand.u32 $0xFFFFFFF0, v10;
	v12 =	vand.u32 $0xFFFFFFF0, v12;
	v6 =	vadd.f32 v14, v6;
	v25 =	vld [tilespmem:s22+$0x3340]  }
0xda: {  	v32 =	vor.u32 v0, v12;
	v18 =	vor.u32 v0, v10;
	v5 =	vadd.f32 v1, v5;
	v14 =	vld.idx.msk [tilespmem:v19+s14+$0x0], $0xffff  }
0xdb: {  	v1 =	vmov v15;
	v19 =	vor.u32 v0, v20;
	v10 =	vld [tilespmem:s22+$0x3240]  }
0xdc: {  	v15 =	vld.idx.msk [tilespmem:v29+s14+$0x0], $0xffff  }
0xdd: {  	v29 =	vld.idx.msk [tilespmem:v16+s14+$0x0], $0xffff;
	v16 =	vand.u32 $0xFFFFF, v23  }
0xde: {  	v9 =	vshll.u32 v9, $0x4;
	v7 =	vadd.f32 v22, v7;
	v12 =	vld [tilespmem:s22+$0x3300]  }
0xdf: {  	v22 =	vshra.s32 v24, $0xC;
	v11 =	vadd.f32 v31, v11;
	v23 =	vor.u32 v0, v9;
	v20 =	vld [tilespmem:s22+$0x3200]  }
0xe0: {  	v33 =	vshll.u32 v27, $0x4;
	v22 =	vand.u32 $0xFFFFFFF0, v22;
	v17 =	vadd.f32 v14, v17;
	v19 =	vld.idx.msk [tilespmem:v19+s14+$0x0], $0xffff  }
0xe1: {  	v35 =	vshra.s32 v27, $0xC;
	v23 =	vand.u32 $0xFFFFF, v23;
	v14 =	vshll.u32 v10, $0x4;
	v9 =	vld [tilespmem:s22+$0x3340]  }
0xe2: {  	v27 =	vshra.s32 v21, $0xC;
	v36 =	vor.u32 v0, v22;
	v14 =	vor.u32 v0, v14;
	v16 =	vld.idx.msk [tilespmem:v16+s14+$0x0], $0xffff  }
0xe3: {  	v21 =	vshll.u32 v21, $0x4;
	v27 =	vand.u32 $0xFFFFFFF0, v27;
	v22 =	vand.u32 $0xFFFFF, v14;
	v14 =	vld.idx.msk [tilespmem:v26+s14+$0x0], $0xffff  }
.Ltmp1:
0xe4: {  	v28 =	vor.u32 v0, v27;
	v11 =	vadd.f32 v15, v11;
	v26 =	vshll.u32 v24, $0x4;
	v24 =	vld.idx.msk [tilespmem:v30+s14+$0x0], $0xffff;
	(pc) =	sbr.rel @p0 .LBB2_4-.Ltmp1, $4  }
0xe5: {  	v15 =	vor.u32 v0, v21;
	v13 =	vadd.f32 v29, v13;
	v26 =	vor.u32 v0, v26;
	v21 =	vld.idx.msk [tilespmem:v32+s14+$0x0], $0xffff  }
0xe6: {  	v29 =	vand.u32 $0xFFFFF, v15;
	v30 =	vshll.u32 v12, $0x4;
	v37 =	vand.u32 $0xFFFFF, v26;
	v27 =	vld.idx.msk [tilespmem:v23+s14+$0x0], $0xffff  }
0xe7: {  	v31 =	vshll.u32 v25, $0x4;
	v32 =	vshll.u32 v20, $0x4;
	v23 =	vor.u32 v0, v33;
	v15 =	vld.idx.msk [tilespmem:v36+s14+$0x0], $0xffff  }
0xe8: {  	s20 =	sadd.s32 $0x100, s20;
	s21 =	sadd.s32 $0x200, s21;
	v13 =	vadd.f32 v34, v13;
	v26 =	vand.u32 $0xFFFFFFF0, v35;
	v33 =	vshra.s32 v25, $0xC;
	v25 =	vld.idx.msk [tilespmem:v8+s14+$0x0], $0xffff;
	v8 =	vmovc v37  }
0xe9: {  	_ =	sdelay $0x2  }
0xea: {  	v33 =	vand.u32 $0xFFFFFFF0, v33  }
0xeb: {  	v31 =	vor.u32 v0, v31;
	v18 =	vld.idx.msk [tilespmem:v18+s14+$0x0], $0xffff;
	v33 =	vor.u32 v0, v33  }
0xec: {  	v32 =	vor.u32 v0, v32;
	v20 =	vshra.s32 v20, $0xC;
	v28 =	vld.idx.msk [tilespmem:v28+s14+$0x0], $0xffff;
	v31 =	vand.u32 $0xFFFFF, v31  }
0xed: {  	v29 =	vld.idx.msk [tilespmem:v29+s14+$0x0], $0xffff;
	v30 =	vor.u32 v0, v30;
	v10 =	vshra.s32 v10, $0xC;
	v32 =	vand.u32 $0xFFFFF, v32  }
0xee: {  	v22 =	vld.idx.msk [tilespmem:v22+s14+$0x0], $0xffff;
	v23 =	vand.u32 $0xFFFFF, v23;
	v20 =	vand.u32 $0xFFFFFFF0, v20;
	v30 =	vand.u32 $0xFFFFF, v30  }
0xef: {  	v12 =	vshra.s32 v12, $0xC;
	v8 =	vld.idx.msk [tilespmem:v8+s14+$0x0], $0xffff;
	v10 =	vand.u32 $0xFFFFFFF0, v10;
	v20 =	vor.u32 v0, v20  }
0xf0: {  	v34 =	vshra.s32 v9, $0xC;
	v12 =	vand.u32 $0xFFFFFFF0, v12;
	v10 =	vor.u32 v0, v10;
	v33 =	vld.idx.msk [tilespmem:v33+s14+$0x0], $0xffff  }
0xf1: {  	v2 =	vadd.f32 v19, v2;
	v3 =	vadd.f32 v24, v3;
	v12 =	vor.u32 v0, v12;
	v31 =	vld.idx.msk [tilespmem:v31+s14+$0x0], $0xffff  }
0xf2: {  	v54 =	vor.u32 v0, v26;
	v55 =	vshll.u32 v9, $0x4;
	v53 =	vand.u32 $0xFFFFFFF0, v34;
	v32 =	vld.idx.msk [tilespmem:v32+s14+$0x0], $0xffff  }
0xf3: {  	v6 =	vadd.f32 v21, v6;
	v9 =	vor.u32 v0, v55;
	v7 =	vadd.f32 v25, v7;
	v56 =	vld.idx.msk [tilespmem:v30+s14+$0x0], $0xffff  }
0xf4: {  	v17 =	vadd.f32 v27, v17;
	v19 =	vor.u32 v0, v53;
	v2 =	vadd.f32 v4, v2;
	v20 =	vld.idx.msk [tilespmem:v20+s14+$0x0], $0xffff  }
0xf5: {  	v9 =	vand.u32 $0xFFFFF, v9;
	v5 =	vadd.f32 v18, v5;
	v7 =	vadd.f32 v22, v7;
	v10 =	vld.idx.msk [tilespmem:v10+s14+$0x0], $0xffff  }
0xf6: {  	v3 =	vadd.f32 v16, v3;
	v6 =	vadd.f32 v14, v6;
	v57 =	vld.idx.msk [tilespmem:v12+s14+$0x0], $0xffff  }
0xf7: {  	v23 =	vld.idx.msk [tilespmem:v23+s14+$0x0], $0xffff;
	v1 =	vadd.f32 v1, v5;
	v61 =	vadd.f32 v8, v7  }
0xf8: {  	v4 =	vld.idx.msk [tilespmem:v54+s14+$0x0], $0xffff;
	v58 =	vadd.f32 v32, v13;
	v11 =	vadd.f32 v33, v11  }
0xf9: {  	v60 =	vld.idx.msk [tilespmem:v19+s14+$0x0], $0xffff;
	v59 =	vadd.f32 v31, v17;
	v3 =	vadd.f32 v56, v3  }
0xfa: {  	v9 =	vld.idx.msk [tilespmem:v9+s14+$0x0], $0xffff;
	v2 =	vadd.f32 v20, v2;
	v1 =	vadd.f32 v10, v1  }
0xfb: {  	v5 =	vadd.f32 v57, v6;
	v12 =	vadd.f32 v29, v58  }
0xfc: {  	v2 =	vadd.f32 v28, v2;
	v1 =	vadd.f32 v15, v1  }
0xfd: {  	v3 =	vadd.f32 v23, v3;
	v4 =	vadd.f32 v4, v5  }
0xfe: {  	v2 =	vadd.f32 v2, v12;
	v1 =	vadd.f32 v1, v61  }
0xff: {  	v62 =	vadd.f32 v60, v11;
	v63 =	vadd.f32 v9, v59  }
0x100: {  	v1 =	vadd.f32 v1, v2;
	v2 =	vadd.f32 v4, v3;
	_ =	sdelay $0x1  }
0x101: {  	v1 =	vadd.f32 v2, v1;
	v2 =	vadd.f32 v62, v63;
	_ =	sdelay $0x1  }
0x102: {  	s18 =	smul.f32 $3.200000000e+03, s18;
	v1 =	vadd.f32 v2, v1;
	_ =	sdelay $0x1  }
0x103: {  	s17 =	sadd.s32 $0x1, s17;
	v1 =	vadd.f32 s18, v1  }
0x104: {  	p0 =	sne.s32 s17, s7  }
.Ltmp2:
0x105: {  	[tilespmem:$0xA500] =	vst v1;
	(pc) =	sbr.rel @p0 .LBB2_1-.Ltmp2, $4  }
0x106: {  	[hbm4b:s6+s3] =	stream.linear.scatter [tilespmem:s16], [sflag:$0x3], $0x80, $0x38;
	[tilespmem:$0xA580] =	vst v63  }
0x107: {  	_ =	swait.ge [sflag:s11], $0x80  }
0x108: {  	[sflag:s11] =	ssyncset.done $0x0  }
0x109: {  	[sflag:s11] =	ssyncadd.s32 $0xFFFFFF80  }
0x10a: {  	_ =	sfence.sel $0x180000  }
0x10b: {  	[bflag:$0x0] =	sbarrier.arrive $0xFFFF  }
0x10c: {  	p0 =	sne.s32 s1, $0x0;
	_ =	strace $0x90000047  }
0x10d: {  	s0 =	sadd.s32 @!p0 $0x100000, s0;
	[bflag:$0x2] =	sbarrier.arrive $0xFFFF  }
0x10e: {  	[sflag:s0] =	ssyncadd.tile.s32 @!p0 $0x1;
	_ =	shalt  }
.Lfunc_end2:
_tile_overlayer_lowered:
.L_overlay_start_2:
0x10f: {  	(tag) =	ssettag $0x2  }
0x110: {  	s0 =	rddreg [dreg:$0x0];
	s2 =	stileid.u32  }
0x111: {  	s1 =	rddreg [dreg:$0x1];
	p0 =	sne.s32 s2, $0x0  }
0x112: {  	s3 =	rddreg [dreg:$0x2];
	[bflag:$0x3] =	sbarrier.arrive $0xFFFF;
	s2 =	simm.s32 @!p0 $0x1C03  }
0x113: {  	[timem:s3], [sflag:s2] =	dma.local @!p0 [hbm:s0], s1  }
0x114: {  	s0 =	simm.s32 @!p0 $0x3  }
0x115: {  	_ =	swait.ge @!p0 [sflag:s0], s1  }
0x116: {  	s1 =	ssub.s32 @!p0 $0x0, s1;
	[sflag:s0] =	ssyncset.done @!p0 $0x0  }
0x117: {  	[sflag:s0] =	ssyncadd.s32 @!p0 s1  }
0x118: {  	[bflag:$0x3] =	sbarrier.arrive $0xFFFF  }
0x119: {  	_ =	shalt  }

</sc_bundles>
